<compile_context>
chip_gen: v7x
topology: tpu7x:2x2x1
jax: 0.10.2.dev20260603
libtpu: 0.0.44.dev20260713+nightly
codegen_flags: <defaults>
</compile_context>

<pallas_src>
import functools

import jax
import jax.numpy as jnp
from jax import lax
from jax.experimental import pallas as pl
from jax.experimental.pallas import tpu as pltpu
from jax.experimental.pallas import tpu_sc as plsc

_B = 16384
_F = 26
_VOCAB = 100000
_D = 32

_NC = 2
_NS = 16
_NW = _NC * _NS
_CH = 4096
_NCH = _B // _CH


@functools.partial(
    pl.kernel,
    out_type=jax.ShapeDtypeStruct((_F, _D, _B), jnp.float32),
    mesh=plsc.VectorSubcoreMesh(core_axis_name="c", subcore_axis_name="s"),
    scratch_types=[
        pltpu.VMEM((_VOCAB,), jnp.float32),
        pltpu.VMEM((_CH,), jnp.int32),
        pltpu.VMEM((_CH,), jnp.int32),
        pltpu.VMEM((_CH,), jnp.float32),
        pltpu.VMEM((_CH,), jnp.float32),
        pltpu.VMEM_SHARED((2, _B), jnp.int32),
        pltpu.SemaphoreType.DMA,
        pltpu.SemaphoreType.DMA,
        pltpu.SemaphoreType.DMA,
        pltpu.SemaphoreType.DMA,
        pltpu.SemaphoreType.DMA,
    ],
    compiler_params=pltpu.CompilerParams(needs_layout_passes=False),
)
def _embed_kernel(
    xt_in, tabt_in, out_t, tfd, xb0, xb1, ob0, ob1, xsh, sx0, sx1, so0, so1, sxp
):
    s = lax.axis_index("s")
    d = lax.axis_index("c") * _NS + s
    xb = (xb0, xb1)
    ob = (ob0, ob1)
    sx = (sx0, sx1)
    so = (so0, so1)

    def x_copy(f, c):
        return pltpu.make_async_copy(
            xsh.at[f % 2, pl.ds(c * _CH, _CH)], xb[c % 2], sx[c % 2]
        )

    def o_copy(f, c):
        return pltpu.make_async_copy(
            ob[c % 2], out_t.at[f, d, pl.ds(c * _CH, _CH)], so[c % 2]
        )

    @pl.when(s == 0)
    def _():
        pltpu.sync_copy(xt_in.at[0], xsh.at[0])

    plsc.subcore_barrier()

    def feature_body(f, carry):
        def x_prefetch():
            nf = lax.min(f + 1, _F - 1)
            return pltpu.make_async_copy(
                xt_in.at[nf], xsh.at[(f + 1) % 2], sxp
            )

        @pl.when(s == 0)
        def _():
            x_prefetch().start()

        x_copy(f, 0).start()
        pltpu.sync_copy(tabt_in.at[f, d], tfd)

        for c in range(_NCH):
            if c + 1 < _NCH:
                x_copy(f, c + 1).start()
            x_copy(f, c).wait()
            if c >= 2:
                o_copy(f, c - 2).wait()
            dst = ob[c % 2]
            src = xb[c % 2]

            @plsc.parallel_loop(0, _CH, step=16, unroll=8)
            def gather_body(i):
                dst[pl.ds(i, 16)] = plsc.load_gather(tfd, [src[pl.ds(i, 16)]])

            o_copy(f, c).start()
        o_copy(f, _NCH - 2).wait()
        o_copy(f, _NCH - 1).wait()

        @pl.when(s == 0)
        def _():
            x_prefetch().wait()

        plsc.subcore_barrier()
        return carry

    lax.fori_loop(0, _F, feature_body, 0)


def kernel(x, tables):
    out_t = _embed_kernel(x.T, tables.transpose(0, 2, 1))
    return out_t.transpose(2, 0, 1)

# --- scband reference (transcript-rebuilt; emitter-appended) ---
"""Pipeline reference for scband-cembedding-25915832664239 (READ-ONLY COPY).

The authoritative reference and input builder live on the scoring server;
editing this copy changes nothing except your own understanding.
"""

import jax, jax.numpy as jnp
import numpy as np

B = 16384
F = 26
VOCAB = 100000
D = 32

def setup_inputs(seed: int = 0) -> dict:
    key = jax.random.key(seed)
    k1, k2 = jax.random.split(key)
    # indices per sparse field; StringLookup output modeled as int ids in [0, VOCAB)
    x = jax.random.randint(k1, (B, F), 0, VOCAB, dtype=jnp.int32)
    # one embedding table per feature, stacked: [F, VOCAB, D]
    tables = jax.random.normal(k2, (F, VOCAB, D), dtype=jnp.float32) * 0.02
    return {"x": x, "tables": tables}

def reference(x, tables):
    # For each feature f: emb_layers[f](lookup[f](x[:, f])) -> [B, D]
    # Then stack over features axis=1 -> [B, F, D]
    def embed_column(table, idx):
        return jnp.take(table, idx, axis=0)  # gather rows: [B, D]
    embs = jax.vmap(embed_column, in_axes=(0, 1), out_axes=1)(tables, x)
    return embs  # [B, F, D]

if __name__ == "__main__":
    import jax
    _d = setup_inputs()
    print(jax.jit(kernel)(*tuple(_d.values())))

</pallas_src>

<mosaic_0001>
#map = affine_map<(d0, d1) -> (0, 0)>
#map1 = affine_map<(d0, d1) -> (0, 0, 0)>
module attributes {stable_mosaic.version = 14 : i64} {
  func.func @_embed_kernel(%arg0: i32, %arg1: i32, %arg2: memref<26x16384xi32, #tpu.memory_space<hbm>>, %arg3: memref<26x32x100000xf32, #tpu.memory_space<hbm>>, %arg4: memref<26x32x16384xf32, #tpu.memory_space<hbm>>, %arg5: memref<100000xf32, #tpu.memory_space<vmem>>, %arg6: memref<4096xi32, #tpu.memory_space<vmem>>, %arg7: memref<4096xi32, #tpu.memory_space<vmem>>, %arg8: memref<4096xf32, #tpu.memory_space<vmem>>, %arg9: memref<4096xf32, #tpu.memory_space<vmem>>, %arg10: memref<2x16384xi32, #tpu.memory_space<vmem_shared>>, %arg11: memref<!tpu.dma_semaphore, #tpu.memory_space<semaphore_mem>>, %arg12: memref<!tpu.dma_semaphore, #tpu.memory_space<semaphore_mem>>, %arg13: memref<!tpu.dma_semaphore, #tpu.memory_space<semaphore_mem>>, %arg14: memref<!tpu.dma_semaphore, #tpu.memory_space<semaphore_mem>>, %arg15: memref<!tpu.dma_semaphore, #tpu.memory_space<semaphore_mem>>) attributes {dimension_semantics = [#tpu.dimension_semantics<core_parallel>, #tpu.dimension_semantics<subcore_parallel>], iteration_bounds = array<i64: 2, 16>, scalar_prefetch = 0 : i64, scratch_operands = 11 : i64, tpu.core_type = #tpu.core_type<sc_vector_subcore>, window_params = [{transform_indices = #map}, {transform_indices = #map1}, {transform_indices = #map1}]} {
    %mul3A = arith.constant 16 : i32
    %mul3A_0 = arith.muli %arg0, %mul3A : i32
    %add3A = arith.addi %mul3A_0, %arg1 : i32
    %eq3A = arith.constant 0 : i32
    %eq3A_1 = arith.cmpi eq, %arg1, %eq3A : i32
    %convert_element_type3A = arith.extui %eq3A_1 : i1 to i32
    %cond3A = arith.constant 0 : i32
    %cond3A_2 = arith.cmpi ne, %convert_element_type3A, %cond3A : i32
    scf.if %cond3A_2 {
      %run_scoped3A = arith.constant 0 : i32
      %run_scoped3A_8 = arith.constant 0 : i32
      "tpu.region"() ({
        %run_scoped3A_9 = tpu.sem_alloc : memref<!tpu.dma_semaphore, #tpu.memory_space<semaphore_mem>>
        %dma_start3A = arith.constant 0 : i32
        %dma_start3A_10 = tpu.memref_slice %arg10[%run_scoped3A_8, %dma_start3A] : memref<2x16384xi32, #tpu.memory_space<vmem_shared>> -> memref<1x16384xi32, #tpu.memory_space<vmem_shared>>
        %dma_start3A_11 = tpu.memref_squeeze %dma_start3A_10 : memref<1x16384xi32, #tpu.memory_space<vmem_shared>> -> memref<16384xi32, #tpu.memory_space<vmem_shared>>
        %dma_start3A_12 = arith.constant 0 : i32
        %dma_start3A_13 = tpu.memref_slice %arg2[%run_scoped3A, %dma_start3A_12] : memref<26x16384xi32, #tpu.memory_space<hbm>> -> memref<1x16384xi32, #tpu.memory_space<hbm>>
        %dma_start3A_14 = tpu.memref_squeeze %dma_start3A_13 : memref<1x16384xi32, #tpu.memory_space<hbm>> -> memref<16384xi32, #tpu.memory_space<hbm>>
        tpu.enqueue_dma source(%dma_start3A_14 : memref<16384xi32, #tpu.memory_space<hbm>>) target(%dma_start3A_11 : memref<16384xi32, #tpu.memory_space<vmem_shared>>) target_semaphore(%run_scoped3A_9 : memref<!tpu.dma_semaphore, #tpu.memory_space<semaphore_mem>>)
        %dma_wait3A = arith.constant 0 : i32
        %dma_wait3A_15 = tpu.memref_slice %arg10[%run_scoped3A_8, %dma_wait3A] : memref<2x16384xi32, #tpu.memory_space<vmem_shared>> -> memref<1x16384xi32, #tpu.memory_space<vmem_shared>>
        %dma_wait3A_16 = tpu.memref_squeeze %dma_wait3A_15 : memref<1x16384xi32, #tpu.memory_space<vmem_shared>> -> memref<16384xi32, #tpu.memory_space<vmem_shared>>
        %dma_wait3A_17 = arith.constant 0 : i32
        %dma_wait3A_18 = tpu.memref_slice %arg2[%run_scoped3A, %dma_wait3A_17] : memref<26x16384xi32, #tpu.memory_space<hbm>> -> memref<1x16384xi32, #tpu.memory_space<hbm>>
        %dma_wait3A_19 = tpu.memref_squeeze %dma_wait3A_18 : memref<1x16384xi32, #tpu.memory_space<hbm>> -> memref<16384xi32, #tpu.memory_space<hbm>>
        tpu.wait_dma2 semaphore(%run_scoped3A_9 : memref<!tpu.dma_semaphore, #tpu.memory_space<semaphore_mem>>) src(%dma_wait3A_19 : memref<16384xi32, #tpu.memory_space<hbm>>) dst(%dma_wait3A_16 : memref<16384xi32, #tpu.memory_space<vmem_shared>>)
        tpu.yield
      }) : () -> ()
    } else {
    }
    %barrier3A = arith.constant 0 : index
    tpu.barrier barrier_id(%barrier3A)
    %scan3A = arith.constant 0 : i32
    %scan3A_3 = arith.constant 0 : i32
    %scan3A_4 = arith.constant 26 : i32
    %scan3A_5 = arith.addi %scan3A_3, %scan3A_4 : i32
    %scan3A_6 = arith.constant 1 : i32
    scf.for %scan3A_8 = %scan3A_3 to %scan3A_5 step %scan3A_6  : i32 {
      %eq3A_9 = arith.constant 0 : i32
      %eq3A_10 = arith.cmpi eq, %arg1, %eq3A_9 : i32
      %convert_element_type3A_11 = arith.extui %eq3A_10 : i1 to i32
      %cond3A_12 = arith.constant 0 : i32
      %cond3A_13 = arith.cmpi ne, %convert_element_type3A_11, %cond3A_12 : i32
      scf.if %cond3A_13 {
        %add3A_247 = arith.constant 1 : i32
        %add3A_248 = arith.addi %scan3A_8, %add3A_247 : i32
        %min3A = arith.constant 25 : i32
        %min3A_249 = arith.minsi %add3A_248, %min3A : i32
        %add3A_250 = arith.constant 1 : i32
        %add3A_251 = arith.addi %scan3A_8, %add3A_250 : i32
        %jit3A_252 = arith.constant 2 : i32
        %eq3A_253 = arith.constant 0 : i32
        %eq3A_254 = arith.cmpi eq, %jit3A_252, %eq3A_253 : i32
        %jit3A_255 = arith.constant 1 : i32
        %select_n3A_256 = arith.select %eq3A_254, %jit3A_255, %jit3A_252 : i32
        %rem3A_257 = arith.remsi %add3A_251, %select_n3A_256 : i32
        %ne3A_258 = arith.constant 0 : i32
        %ne3A_259 = arith.cmpi ne, %rem3A_257, %ne3A_258 : i32
        %lt3A_260 = arith.constant 0 : i32
        %lt3A_261 = arith.cmpi slt, %rem3A_257, %lt3A_260 : i32
        %lt3A_262 = arith.constant 0 : i32
        %lt3A_263 = arith.cmpi slt, %select_n3A_256, %lt3A_262 : i32
        %ne3A_264 = arith.xori %lt3A_261, %lt3A_263 : i1
        %and3A_265 = arith.andi %ne3A_264, %ne3A_259 : i1
        %add3A_266 = arith.addi %rem3A_257, %select_n3A_256 : i32
        %select_n3A_267 = arith.select %and3A_265, %add3A_266, %rem3A_257 : i32
        %dma_start3A_268 = arith.constant 0 : i32
        %dma_start3A_269 = tpu.memref_slice %arg10[%select_n3A_267, %dma_start3A_268] : memref<2x16384xi32, #tpu.memory_space<vmem_shared>> -> memref<1x16384xi32, #tpu.memory_space<vmem_shared>>
        %dma_start3A_270 = tpu.memref_squeeze %dma_start3A_269 : memref<1x16384xi32, #tpu.memory_space<vmem_shared>> -> memref<16384xi32, #tpu.memory_space<vmem_shared>>
        %dma_start3A_271 = arith.constant 0 : i32
        %dma_start3A_272 = tpu.memref_slice %arg2[%min3A_249, %dma_start3A_271] : memref<26x16384xi32, #tpu.memory_space<hbm>> -> memref<1x16384xi32, #tpu.memory_space<hbm>>
        %dma_start3A_273 = tpu.memref_squeeze %dma_start3A_272 : memref<1x16384xi32, #tpu.memory_space<hbm>> -> memref<16384xi32, #tpu.memory_space<hbm>>
        tpu.enqueue_dma source(%dma_start3A_273 : memref<16384xi32, #tpu.memory_space<hbm>>) target(%dma_start3A_270 : memref<16384xi32, #tpu.memory_space<vmem_shared>>) target_semaphore(%arg15 : memref<!tpu.dma_semaphore, #tpu.memory_space<semaphore_mem>>)
      } else {
      }
      %jit3A = arith.constant 2 : i32
      %eq3A_14 = arith.constant 0 : i32
      %eq3A_15 = arith.cmpi eq, %jit3A, %eq3A_14 : i32
      %jit3A_16 = arith.constant 1 : i32
      %select_n3A = arith.select %eq3A_15, %jit3A_16, %jit3A : i32
      %rem3A = arith.remsi %scan3A_8, %select_n3A : i32
      %ne3A = arith.constant 0 : i32
      %ne3A_17 = arith.cmpi ne, %rem3A, %ne3A : i32
      %lt3A = arith.constant 0 : i32
      %lt3A_18 = arith.cmpi slt, %rem3A, %lt3A : i32
      %lt3A_19 = arith.constant 0 : i32
      %lt3A_20 = arith.cmpi slt, %select_n3A, %lt3A_19 : i32
      %ne3A_21 = arith.xori %lt3A_18, %lt3A_20 : i1
      %and3A = arith.andi %ne3A_21, %ne3A_17 : i1
      %add3A_22 = arith.addi %rem3A, %select_n3A : i32
      %select_n3A_23 = arith.select %and3A, %add3A_22, %rem3A : i32
      %dma_start3A = arith.constant 0 : i32
      %dma_start3A_24 = tpu.memref_slice %arg10[%select_n3A_23, %dma_start3A] : memref<2x16384xi32, #tpu.memory_space<vmem_shared>> -> memref<1x4096xi32, #tpu.memory_space<vmem_shared>>
      %dma_start3A_25 = tpu.memref_squeeze %dma_start3A_24 : memref<1x4096xi32, #tpu.memory_space<vmem_shared>> -> memref<4096xi32, #tpu.memory_space<vmem_shared>>
      %dma_start3A_26 = arith.constant 0 : i32
      %dma_start3A_27 = tpu.memref_slice %arg10[%select_n3A_23, %dma_start3A_26] : memref<2x16384xi32, #tpu.memory_space<vmem_shared>> -> memref<1x4096xi32, #tpu.memory_space<vmem_shared>>
      %dma_start3A_28 = tpu.memref_squeeze %dma_start3A_27 : memref<1x4096xi32, #tpu.memory_space<vmem_shared>> -> memref<4096xi32, #tpu.memory_space<vmem_shared>>
      tpu.enqueue_dma source(%dma_start3A_28 : memref<4096xi32, #tpu.memory_space<vmem_shared>>) target(%arg6 : memref<4096xi32, #tpu.memory_space<vmem>>) target_semaphore(%arg11 : memref<!tpu.dma_semaphore, #tpu.memory_space<semaphore_mem>>)
      "tpu.region"() ({
        %run_scoped3A = tpu.sem_alloc : memref<!tpu.dma_semaphore, #tpu.memory_space<semaphore_mem>>
        %dma_start3A_247 = arith.constant 0 : i32
        %dma_start3A_248 = tpu.memref_slice %arg3[%scan3A_8, %add3A, %dma_start3A_247] : memref<26x32x100000xf32, #tpu.memory_space<hbm>> -> memref<1x1x100000xf32, #tpu.memory_space<hbm>>
        %dma_start3A_249 = tpu.memref_squeeze %dma_start3A_248 : memref<1x1x100000xf32, #tpu.memory_space<hbm>> -> memref<100000xf32, #tpu.memory_space<hbm>>
        %dma_start3A_250 = arith.constant 0 : i32
        %dma_start3A_251 = tpu.memref_slice %arg3[%scan3A_8, %add3A, %dma_start3A_250] : memref<26x32x100000xf32, #tpu.memory_space<hbm>> -> memref<1x1x100000xf32, #tpu.memory_space<hbm>>
        %dma_start3A_252 = tpu.memref_squeeze %dma_start3A_251 : memref<1x1x100000xf32, #tpu.memory_space<hbm>> -> memref<100000xf32, #tpu.memory_space<hbm>>
        tpu.enqueue_dma source(%dma_start3A_252 : memref<100000xf32, #tpu.memory_space<hbm>>) target(%arg5 : memref<100000xf32, #tpu.memory_space<vmem>>) target_semaphore(%run_scoped3A : memref<!tpu.dma_semaphore, #tpu.memory_space<semaphore_mem>>)
        %dma_wait3A_253 = arith.constant 0 : i32
        %dma_wait3A_254 = tpu.memref_slice %arg3[%scan3A_8, %add3A, %dma_wait3A_253] : memref<26x32x100000xf32, #tpu.memory_space<hbm>> -> memref<1x1x100000xf32, #tpu.memory_space<hbm>>
        %dma_wait3A_255 = tpu.memref_squeeze %dma_wait3A_254 : memref<1x1x100000xf32, #tpu.memory_space<hbm>> -> memref<100000xf32, #tpu.memory_space<hbm>>
        %dma_wait3A_256 = arith.constant 0 : i32
        %dma_wait3A_257 = tpu.memref_slice %arg3[%scan3A_8, %add3A, %dma_wait3A_256] : memref<26x32x100000xf32, #tpu.memory_space<hbm>> -> memref<1x1x100000xf32, #tpu.memory_space<hbm>>
        %dma_wait3A_258 = tpu.memref_squeeze %dma_wait3A_257 : memref<1x1x100000xf32, #tpu.memory_space<hbm>> -> memref<100000xf32, #tpu.memory_space<hbm>>
        tpu.wait_dma2 semaphore(%run_scoped3A : memref<!tpu.dma_semaphore, #tpu.memory_space<semaphore_mem>>) src(%dma_wait3A_258 : memref<100000xf32, #tpu.memory_space<hbm>>) dst(%arg5 : memref<100000xf32, #tpu.memory_space<vmem>>)
        tpu.yield
      }) : () -> ()
      %jit3A_29 = arith.constant 2 : i32
      %eq3A_30 = arith.constant 0 : i32
      %eq3A_31 = arith.cmpi eq, %jit3A_29, %eq3A_30 : i32
      %jit3A_32 = arith.constant 1 : i32
      %select_n3A_33 = arith.select %eq3A_31, %jit3A_32, %jit3A_29 : i32
      %rem3A_34 = arith.remsi %scan3A_8, %select_n3A_33 : i32
      %ne3A_35 = arith.constant 0 : i32
      %ne3A_36 = arith.cmpi ne, %rem3A_34, %ne3A_35 : i32
      %lt3A_37 = arith.constant 0 : i32
      %lt3A_38 = arith.cmpi slt, %rem3A_34, %lt3A_37 : i32
      %lt3A_39 = arith.constant 0 : i32
      %lt3A_40 = arith.cmpi slt, %select_n3A_33, %lt3A_39 : i32
      %ne3A_41 = arith.xori %lt3A_38, %lt3A_40 : i1
      %and3A_42 = arith.andi %ne3A_41, %ne3A_36 : i1
      %add3A_43 = arith.addi %rem3A_34, %select_n3A_33 : i32
      %select_n3A_44 = arith.select %and3A_42, %add3A_43, %rem3A_34 : i32
      %dma_start3A_45 = arith.constant 4096 : i32
      %dma_start3A_46 = tpu.memref_slice %arg10[%select_n3A_44, %dma_start3A_45] : memref<2x16384xi32, #tpu.memory_space<vmem_shared>> -> memref<1x4096xi32, #tpu.memory_space<vmem_shared>>
      %dma_start3A_47 = tpu.memref_squeeze %dma_start3A_46 : memref<1x4096xi32, #tpu.memory_space<vmem_shared>> -> memref<4096xi32, #tpu.memory_space<vmem_shared>>
      %dma_start3A_48 = arith.constant 4096 : i32
      %dma_start3A_49 = tpu.memref_slice %arg10[%select_n3A_44, %dma_start3A_48] : memref<2x16384xi32, #tpu.memory_space<vmem_shared>> -> memref<1x4096xi32, #tpu.memory_space<vmem_shared>>
      %dma_start3A_50 = tpu.memref_squeeze %dma_start3A_49 : memref<1x4096xi32, #tpu.memory_space<vmem_shared>> -> memref<4096xi32, #tpu.memory_space<vmem_shared>>
      tpu.enqueue_dma source(%dma_start3A_50 : memref<4096xi32, #tpu.memory_space<vmem_shared>>) target(%arg7 : memref<4096xi32, #tpu.memory_space<vmem>>) target_semaphore(%arg12 : memref<!tpu.dma_semaphore, #tpu.memory_space<semaphore_mem>>)
      %jit3A_51 = arith.constant 2 : i32
      %eq3A_52 = arith.constant 0 : i32
      %eq3A_53 = arith.cmpi eq, %jit3A_51, %eq3A_52 : i32
      %jit3A_54 = arith.constant 1 : i32
      %select_n3A_55 = arith.select %eq3A_53, %jit3A_54, %jit3A_51 : i32
      %rem3A_56 = arith.remsi %scan3A_8, %select_n3A_55 : i32
      %ne3A_57 = arith.constant 0 : i32
      %ne3A_58 = arith.cmpi ne, %rem3A_56, %ne3A_57 : i32
      %lt3A_59 = arith.constant 0 : i32
      %lt3A_60 = arith.cmpi slt, %rem3A_56, %lt3A_59 : i32
      %lt3A_61 = arith.constant 0 : i32
      %lt3A_62 = arith.cmpi slt, %select_n3A_55, %lt3A_61 : i32
      %ne3A_63 = arith.xori %lt3A_60, %lt3A_62 : i1
      %and3A_64 = arith.andi %ne3A_63, %ne3A_58 : i1
      %add3A_65 = arith.addi %rem3A_56, %select_n3A_55 : i32
      %select_n3A_66 = arith.select %and3A_64, %add3A_65, %rem3A_56 : i32
      %dma_wait3A = arith.constant 0 : i32
      %dma_wait3A_67 = tpu.memref_slice %arg10[%select_n3A_66, %dma_wait3A] : memref<2x16384xi32, #tpu.memory_space<vmem_shared>> -> memref<1x4096xi32, #tpu.memory_space<vmem_shared>>
      %dma_wait3A_68 = tpu.memref_squeeze %dma_wait3A_67 : memref<1x4096xi32, #tpu.memory_space<vmem_shared>> -> memref<4096xi32, #tpu.memory_space<vmem_shared>>
      %dma_wait3A_69 = arith.constant 0 : i32
      %dma_wait3A_70 = tpu.memref_slice %arg10[%select_n3A_66, %dma_wait3A_69] : memref<2x16384xi32, #tpu.memory_space<vmem_shared>> -> memref<1x4096xi32, #tpu.memory_space<vmem_shared>>
      %dma_wait3A_71 = tpu.memref_squeeze %dma_wait3A_70 : memref<1x4096xi32, #tpu.memory_space<vmem_shared>> -> memref<4096xi32, #tpu.memory_space<vmem_shared>>
      tpu.wait_dma2 semaphore(%arg11 : memref<!tpu.dma_semaphore, #tpu.memory_space<semaphore_mem>>) src(%dma_wait3A_71 : memref<4096xi32, #tpu.memory_space<vmem_shared>>) dst(%arg6 : memref<4096xi32, #tpu.memory_space<vmem>>)
      %parallel_loop3A = arith.constant 0 : i32
      %parallel_loop3A_72 = arith.constant 4096 : i32
      %parallel_loop3A_73 = arith.constant 16 : i32
      scf.for %parallel_loop3A_247 = %parallel_loop3A to %parallel_loop3A_72 step %parallel_loop3A_73  : i32 {
        %parallel_loop3A_248 = arith.index_cast %parallel_loop3A_247 : i32 to index
        %parallel_loop3A_249 = tpu.vector_load %arg6[%parallel_loop3A_248] {strides = array<i32>} : memref<4096xi32, #tpu.memory_space<vmem>>, vector<16xi32>,
        %parallel_loop3A_250 = tpu.vector_load_idx %arg5[%parallel_loop3A_249] : memref<100000xf32, #tpu.memory_space<vmem>>[vector<16xi32>], vector<16xf32>,
        %parallel_loop3A_251 = arith.index_cast %parallel_loop3A_247 : i32 to index
        %parallel_loop3A_252 = tpu.vector_load %arg8[%parallel_loop3A_251] {strides = array<i32>} : memref<4096xf32, #tpu.memory_space<vmem>>, vector<16xf32>,
        tpu.vector_store %arg8[%parallel_loop3A_251], %parallel_loop3A_250 {strides = array<i32>} : memref<4096xf32, #tpu.memory_space<vmem>>, vector<16xf32>,
      } {sc.loop_unroll_factor = 8 : i64, sc.parallel_access}
      %dma_start3A_74 = arith.constant 0 : i32
      %dma_start3A_75 = tpu.memref_slice %arg4[%scan3A_8, %add3A, %dma_start3A_74] : memref<26x32x16384xf32, #tpu.memory_space<hbm>> -> memref<1x1x4096xf32, #tpu.memory_space<hbm>>
      %dma_start3A_76 = tpu.memref_squeeze %dma_start3A_75 : memref<1x1x4096xf32, #tpu.memory_space<hbm>> -> memref<4096xf32, #tpu.memory_space<hbm>>
      %dma_start3A_77 = arith.constant 0 : i32
      %dma_start3A_78 = tpu.memref_slice %arg4[%scan3A_8, %add3A, %dma_start3A_77] : memref<26x32x16384xf32, #tpu.memory_space<hbm>> -> memref<1x1x4096xf32, #tpu.memory_space<hbm>>
      %dma_start3A_79 = tpu.memref_squeeze %dma_start3A_78 : memref<1x1x4096xf32, #tpu.memory_space<hbm>> -> memref<4096xf32, #tpu.memory_space<hbm>>
      tpu.enqueue_dma source(%arg8 : memref<4096xf32, #tpu.memory_space<vmem>>) target(%dma_start3A_79 : memref<4096xf32, #tpu.memory_space<hbm>>) target_semaphore(%arg13 : memref<!tpu.dma_semaphore, #tpu.memory_space<semaphore_mem>>)
      %jit3A_80 = arith.constant 2 : i32
      %eq3A_81 = arith.constant 0 : i32
      %eq3A_82 = arith.cmpi eq, %jit3A_80, %eq3A_81 : i32
      %jit3A_83 = arith.constant 1 : i32
      %select_n3A_84 = arith.select %eq3A_82, %jit3A_83, %jit3A_80 : i32
      %rem3A_85 = arith.remsi %scan3A_8, %select_n3A_84 : i32
      %ne3A_86 = arith.constant 0 : i32
      %ne3A_87 = arith.cmpi ne, %rem3A_85, %ne3A_86 : i32
      %lt3A_88 = arith.constant 0 : i32
      %lt3A_89 = arith.cmpi slt, %rem3A_85, %lt3A_88 : i32
      %lt3A_90 = arith.constant 0 : i32
      %lt3A_91 = arith.cmpi slt, %select_n3A_84, %lt3A_90 : i32
      %ne3A_92 = arith.xori %lt3A_89, %lt3A_91 : i1
      %and3A_93 = arith.andi %ne3A_92, %ne3A_87 : i1
      %add3A_94 = arith.addi %rem3A_85, %select_n3A_84 : i32
      %select_n3A_95 = arith.select %and3A_93, %add3A_94, %rem3A_85 : i32
      %dma_start3A_96 = arith.constant 8192 : i32
      %dma_start3A_97 = tpu.memref_slice %arg10[%select_n3A_95, %dma_start3A_96] : memref<2x16384xi32, #tpu.memory_space<vmem_shared>> -> memref<1x4096xi32, #tpu.memory_space<vmem_shared>>
      %dma_start3A_98 = tpu.memref_squeeze %dma_start3A_97 : memref<1x4096xi32, #tpu.memory_space<vmem_shared>> -> memref<4096xi32, #tpu.memory_space<vmem_shared>>
      %dma_start3A_99 = arith.constant 8192 : i32
      %dma_start3A_100 = tpu.memref_slice %arg10[%select_n3A_95, %dma_start3A_99] : memref<2x16384xi32, #tpu.memory_space<vmem_shared>> -> memref<1x4096xi32, #tpu.memory_space<vmem_shared>>
      %dma_start3A_101 = tpu.memref_squeeze %dma_start3A_100 : memref<1x4096xi32, #tpu.memory_space<vmem_shared>> -> memref<4096xi32, #tpu.memory_space<vmem_shared>>
      tpu.enqueue_dma source(%dma_start3A_101 : memref<4096xi32, #tpu.memory_space<vmem_shared>>) target(%arg6 : memref<4096xi32, #tpu.memory_space<vmem>>) target_semaphore(%arg11 : memref<!tpu.dma_semaphore, #tpu.memory_space<semaphore_mem>>)
      %jit3A_102 = arith.constant 2 : i32
      %eq3A_103 = arith.constant 0 : i32
      %eq3A_104 = arith.cmpi eq, %jit3A_102, %eq3A_103 : i32
      %jit3A_105 = arith.constant 1 : i32
      %select_n3A_106 = arith.select %eq3A_104, %jit3A_105, %jit3A_102 : i32
      %rem3A_107 = arith.remsi %scan3A_8, %select_n3A_106 : i32
      %ne3A_108 = arith.constant 0 : i32
      %ne3A_109 = arith.cmpi ne, %rem3A_107, %ne3A_108 : i32
      %lt3A_110 = arith.constant 0 : i32
      %lt3A_111 = arith.cmpi slt, %rem3A_107, %lt3A_110 : i32
      %lt3A_112 = arith.constant 0 : i32
      %lt3A_113 = arith.cmpi slt, %select_n3A_106, %lt3A_112 : i32
      %ne3A_114 = arith.xori %lt3A_111, %lt3A_113 : i1
      %and3A_115 = arith.andi %ne3A_114, %ne3A_109 : i1
      %add3A_116 = arith.addi %rem3A_107, %select_n3A_106 : i32
      %select_n3A_117 = arith.select %and3A_115, %add3A_116, %rem3A_107 : i32
      %dma_wait3A_118 = arith.constant 4096 : i32
      %dma_wait3A_119 = tpu.memref_slice %arg10[%select_n3A_117, %dma_wait3A_118] : memref<2x16384xi32, #tpu.memory_space<vmem_shared>> -> memref<1x4096xi32, #tpu.memory_space<vmem_shared>>
      %dma_wait3A_120 = tpu.memref_squeeze %dma_wait3A_119 : memref<1x4096xi32, #tpu.memory_space<vmem_shared>> -> memref<4096xi32, #tpu.memory_space<vmem_shared>>
      %dma_wait3A_121 = arith.constant 4096 : i32
      %dma_wait3A_122 = tpu.memref_slice %arg10[%select_n3A_117, %dma_wait3A_121] : memref<2x16384xi32, #tpu.memory_space<vmem_shared>> -> memref<1x4096xi32, #tpu.memory_space<vmem_shared>>
      %dma_wait3A_123 = tpu.memref_squeeze %dma_wait3A_122 : memref<1x4096xi32, #tpu.memory_space<vmem_shared>> -> memref<4096xi32, #tpu.memory_space<vmem_shared>>
      tpu.wait_dma2 semaphore(%arg12 : memref<!tpu.dma_semaphore, #tpu.memory_space<semaphore_mem>>) src(%dma_wait3A_123 : memref<4096xi32, #tpu.memory_space<vmem_shared>>) dst(%arg7 : memref<4096xi32, #tpu.memory_space<vmem>>)
      %parallel_loop3A_124 = arith.constant 0 : i32
      %parallel_loop3A_125 = arith.constant 4096 : i32
      %parallel_loop3A_126 = arith.constant 16 : i32
      scf.for %parallel_loop3A_247 = %parallel_loop3A_124 to %parallel_loop3A_125 step %parallel_loop3A_126  : i32 {
        %parallel_loop3A_248 = arith.index_cast %parallel_loop3A_247 : i32 to index
        %parallel_loop3A_249 = tpu.vector_load %arg7[%parallel_loop3A_248] {strides = array<i32>} : memref<4096xi32, #tpu.memory_space<vmem>>, vector<16xi32>,
        %parallel_loop3A_250 = tpu.vector_load_idx %arg5[%parallel_loop3A_249] : memref<100000xf32, #tpu.memory_space<vmem>>[vector<16xi32>], vector<16xf32>,
        %parallel_loop3A_251 = arith.index_cast %parallel_loop3A_247 : i32 to index
        %parallel_loop3A_252 = tpu.vector_load %arg9[%parallel_loop3A_251] {strides = array<i32>} : memref<4096xf32, #tpu.memory_space<vmem>>, vector<16xf32>,
        tpu.vector_store %arg9[%parallel_loop3A_251], %parallel_loop3A_250 {strides = array<i32>} : memref<4096xf32, #tpu.memory_space<vmem>>, vector<16xf32>,
      } {sc.loop_unroll_factor = 8 : i64, sc.parallel_access}
      %dma_start3A_127 = arith.constant 4096 : i32
      %dma_start3A_128 = tpu.memref_slice %arg4[%scan3A_8, %add3A, %dma_start3A_127] : memref<26x32x16384xf32, #tpu.memory_space<hbm>> -> memref<1x1x4096xf32, #tpu.memory_space<hbm>>
      %dma_start3A_129 = tpu.memref_squeeze %dma_start3A_128 : memref<1x1x4096xf32, #tpu.memory_space<hbm>> -> memref<4096xf32, #tpu.memory_space<hbm>>
      %dma_start3A_130 = arith.constant 4096 : i32
      %dma_start3A_131 = tpu.memref_slice %arg4[%scan3A_8, %add3A, %dma_start3A_130] : memref<26x32x16384xf32, #tpu.memory_space<hbm>> -> memref<1x1x4096xf32, #tpu.memory_space<hbm>>
      %dma_start3A_132 = tpu.memref_squeeze %dma_start3A_131 : memref<1x1x4096xf32, #tpu.memory_space<hbm>> -> memref<4096xf32, #tpu.memory_space<hbm>>
      tpu.enqueue_dma source(%arg9 : memref<4096xf32, #tpu.memory_space<vmem>>) target(%dma_start3A_132 : memref<4096xf32, #tpu.memory_space<hbm>>) target_semaphore(%arg14 : memref<!tpu.dma_semaphore, #tpu.memory_space<semaphore_mem>>)
      %jit3A_133 = arith.constant 2 : i32
      %eq3A_134 = arith.constant 0 : i32
      %eq3A_135 = arith.cmpi eq, %jit3A_133, %eq3A_134 : i32
      %jit3A_136 = arith.constant 1 : i32
      %select_n3A_137 = arith.select %eq3A_135, %jit3A_136, %jit3A_133 : i32
      %rem3A_138 = arith.remsi %scan3A_8, %select_n3A_137 : i32
      %ne3A_139 = arith.constant 0 : i32
      %ne3A_140 = arith.cmpi ne, %rem3A_138, %ne3A_139 : i32
      %lt3A_141 = arith.constant 0 : i32
      %lt3A_142 = arith.cmpi slt, %rem3A_138, %lt3A_141 : i32
      %lt3A_143 = arith.constant 0 : i32
      %lt3A_144 = arith.cmpi slt, %select_n3A_137, %lt3A_143 : i32
      %ne3A_145 = arith.xori %lt3A_142, %lt3A_144 : i1
      %and3A_146 = arith.andi %ne3A_145, %ne3A_140 : i1
      %add3A_147 = arith.addi %rem3A_138, %select_n3A_137 : i32
      %select_n3A_148 = arith.select %and3A_146, %add3A_147, %rem3A_138 : i32
      %dma_start3A_149 = arith.constant 12288 : i32
      %dma_start3A_150 = tpu.memref_slice %arg10[%select_n3A_148, %dma_start3A_149] : memref<2x16384xi32, #tpu.memory_space<vmem_shared>> -> memref<1x4096xi32, #tpu.memory_space<vmem_shared>>
      %dma_start3A_151 = tpu.memref_squeeze %dma_start3A_150 : memref<1x4096xi32, #tpu.memory_space<vmem_shared>> -> memref<4096xi32, #tpu.memory_space<vmem_shared>>
      %dma_start3A_152 = arith.constant 12288 : i32
      %dma_start3A_153 = tpu.memref_slice %arg10[%select_n3A_148, %dma_start3A_152] : memref<2x16384xi32, #tpu.memory_space<vmem_shared>> -> memref<1x4096xi32, #tpu.memory_space<vmem_shared>>
      %dma_start3A_154 = tpu.memref_squeeze %dma_start3A_153 : memref<1x4096xi32, #tpu.memory_space<vmem_shared>> -> memref<4096xi32, #tpu.memory_space<vmem_shared>>
      tpu.enqueue_dma source(%dma_start3A_154 : memref<4096xi32, #tpu.memory_space<vmem_shared>>) target(%arg7 : memref<4096xi32, #tpu.memory_space<vmem>>) target_semaphore(%arg12 : memref<!tpu.dma_semaphore, #tpu.memory_space<semaphore_mem>>)
      %jit3A_155 = arith.constant 2 : i32
      %eq3A_156 = arith.constant 0 : i32
      %eq3A_157 = arith.cmpi eq, %jit3A_155, %eq3A_156 : i32
      %jit3A_158 = arith.constant 1 : i32
      %select_n3A_159 = arith.select %eq3A_157, %jit3A_158, %jit3A_155 : i32
      %rem3A_160 = arith.remsi %scan3A_8, %select_n3A_159 : i32
      %ne3A_161 = arith.constant 0 : i32
      %ne3A_162 = arith.cmpi ne, %rem3A_160, %ne3A_161 : i32
      %lt3A_163 = arith.constant 0 : i32
      %lt3A_164 = arith.cmpi slt, %rem3A_160, %lt3A_163 : i32
      %lt3A_165 = arith.constant 0 : i32
      %lt3A_166 = arith.cmpi slt, %select_n3A_159, %lt3A_165 : i32
      %ne3A_167 = arith.xori %lt3A_164, %lt3A_166 : i1
      %and3A_168 = arith.andi %ne3A_167, %ne3A_162 : i1
      %add3A_169 = arith.addi %rem3A_160, %select_n3A_159 : i32
      %select_n3A_170 = arith.select %and3A_168, %add3A_169, %rem3A_160 : i32
      %dma_wait3A_171 = arith.constant 8192 : i32
      %dma_wait3A_172 = tpu.memref_slice %arg10[%select_n3A_170, %dma_wait3A_171] : memref<2x16384xi32, #tpu.memory_space<vmem_shared>> -> memref<1x4096xi32, #tpu.memory_space<vmem_shared>>
      %dma_wait3A_173 = tpu.memref_squeeze %dma_wait3A_172 : memref<1x4096xi32, #tpu.memory_space<vmem_shared>> -> memref<4096xi32, #tpu.memory_space<vmem_shared>>
      %dma_wait3A_174 = arith.constant 8192 : i32
      %dma_wait3A_175 = tpu.memref_slice %arg10[%select_n3A_170, %dma_wait3A_174] : memref<2x16384xi32, #tpu.memory_space<vmem_shared>> -> memref<1x4096xi32, #tpu.memory_space<vmem_shared>>
      %dma_wait3A_176 = tpu.memref_squeeze %dma_wait3A_175 : memref<1x4096xi32, #tpu.memory_space<vmem_shared>> -> memref<4096xi32, #tpu.memory_space<vmem_shared>>
      tpu.wait_dma2 semaphore(%arg11 : memref<!tpu.dma_semaphore, #tpu.memory_space<semaphore_mem>>) src(%dma_wait3A_176 : memref<4096xi32, #tpu.memory_space<vmem_shared>>) dst(%arg6 : memref<4096xi32, #tpu.memory_space<vmem>>)
      %dma_wait3A_177 = arith.constant 0 : i32
      %dma_wait3A_178 = tpu.memref_slice %arg4[%scan3A_8, %add3A, %dma_wait3A_177] : memref<26x32x16384xf32, #tpu.memory_space<hbm>> -> memref<1x1x4096xf32, #tpu.memory_space<hbm>>
      %dma_wait3A_179 = tpu.memref_squeeze %dma_wait3A_178 : memref<1x1x4096xf32, #tpu.memory_space<hbm>> -> memref<4096xf32, #tpu.memory_space<hbm>>
      %dma_wait3A_180 = arith.constant 0 : i32
      %dma_wait3A_181 = tpu.memref_slice %arg4[%scan3A_8, %add3A, %dma_wait3A_180] : memref<26x32x16384xf32, #tpu.memory_space<hbm>> -> memref<1x1x4096xf32, #tpu.memory_space<hbm>>
      %dma_wait3A_182 = tpu.memref_squeeze %dma_wait3A_181 : memref<1x1x4096xf32, #tpu.memory_space<hbm>> -> memref<4096xf32, #tpu.memory_space<hbm>>
      tpu.wait_dma2 semaphore(%arg13 : memref<!tpu.dma_semaphore, #tpu.memory_space<semaphore_mem>>) src(%arg8 : memref<4096xf32, #tpu.memory_space<vmem>>) dst(%dma_wait3A_182 : memref<4096xf32, #tpu.memory_space<hbm>>)
      %parallel_loop3A_183 = arith.constant 0 : i32
      %parallel_loop3A_184 = arith.constant 4096 : i32
      %parallel_loop3A_185 = arith.constant 16 : i32
      scf.for %parallel_loop3A_247 = %parallel_loop3A_183 to %parallel_loop3A_184 step %parallel_loop3A_185  : i32 {
        %parallel_loop3A_248 = arith.index_cast %parallel_loop3A_247 : i32 to index
        %parallel_loop3A_249 = tpu.vector_load %arg6[%parallel_loop3A_248] {strides = array<i32>} : memref<4096xi32, #tpu.memory_space<vmem>>, vector<16xi32>,
        %parallel_loop3A_250 = tpu.vector_load_idx %arg5[%parallel_loop3A_249] : memref<100000xf32, #tpu.memory_space<vmem>>[vector<16xi32>], vector<16xf32>,
        %parallel_loop3A_251 = arith.index_cast %parallel_loop3A_247 : i32 to index
        %parallel_loop3A_252 = tpu.vector_load %arg8[%parallel_loop3A_251] {strides = array<i32>} : memref<4096xf32, #tpu.memory_space<vmem>>, vector<16xf32>,
        tpu.vector_store %arg8[%parallel_loop3A_251], %parallel_loop3A_250 {strides = array<i32>} : memref<4096xf32, #tpu.memory_space<vmem>>, vector<16xf32>,
      } {sc.loop_unroll_factor = 8 : i64, sc.parallel_access}
      %dma_start3A_186 = arith.constant 8192 : i32
      %dma_start3A_187 = tpu.memref_slice %arg4[%scan3A_8, %add3A, %dma_start3A_186] : memref<26x32x16384xf32, #tpu.memory_space<hbm>> -> memref<1x1x4096xf32, #tpu.memory_space<hbm>>
      %dma_start3A_188 = tpu.memref_squeeze %dma_start3A_187 : memref<1x1x4096xf32, #tpu.memory_space<hbm>> -> memref<4096xf32, #tpu.memory_space<hbm>>
      %dma_start3A_189 = arith.constant 8192 : i32
      %dma_start3A_190 = tpu.memref_slice %arg4[%scan3A_8, %add3A, %dma_start3A_189] : memref<26x32x16384xf32, #tpu.memory_space<hbm>> -> memref<1x1x4096xf32, #tpu.memory_space<hbm>>
      %dma_start3A_191 = tpu.memref_squeeze %dma_start3A_190 : memref<1x1x4096xf32, #tpu.memory_space<hbm>> -> memref<4096xf32, #tpu.memory_space<hbm>>
      tpu.enqueue_dma source(%arg8 : memref<4096xf32, #tpu.memory_space<vmem>>) target(%dma_start3A_191 : memref<4096xf32, #tpu.memory_space<hbm>>) target_semaphore(%arg13 : memref<!tpu.dma_semaphore, #tpu.memory_space<semaphore_mem>>)
      %jit3A_192 = arith.constant 2 : i32
      %eq3A_193 = arith.constant 0 : i32
      %eq3A_194 = arith.cmpi eq, %jit3A_192, %eq3A_193 : i32
      %jit3A_195 = arith.constant 1 : i32
      %select_n3A_196 = arith.select %eq3A_194, %jit3A_195, %jit3A_192 : i32
      %rem3A_197 = arith.remsi %scan3A_8, %select_n3A_196 : i32
      %ne3A_198 = arith.constant 0 : i32
      %ne3A_199 = arith.cmpi ne, %rem3A_197, %ne3A_198 : i32
      %lt3A_200 = arith.constant 0 : i32
      %lt3A_201 = arith.cmpi slt, %rem3A_197, %lt3A_200 : i32
      %lt3A_202 = arith.constant 0 : i32
      %lt3A_203 = arith.cmpi slt, %select_n3A_196, %lt3A_202 : i32
      %ne3A_204 = arith.xori %lt3A_201, %lt3A_203 : i1
      %and3A_205 = arith.andi %ne3A_204, %ne3A_199 : i1
      %add3A_206 = arith.addi %rem3A_197, %select_n3A_196 : i32
      %select_n3A_207 = arith.select %and3A_205, %add3A_206, %rem3A_197 : i32
      %dma_wait3A_208 = arith.constant 12288 : i32
      %dma_wait3A_209 = tpu.memref_slice %arg10[%select_n3A_207, %dma_wait3A_208] : memref<2x16384xi32, #tpu.memory_space<vmem_shared>> -> memref<1x4096xi32, #tpu.memory_space<vmem_shared>>
      %dma_wait3A_210 = tpu.memref_squeeze %dma_wait3A_209 : memref<1x4096xi32, #tpu.memory_space<vmem_shared>> -> memref<4096xi32, #tpu.memory_space<vmem_shared>>
      %dma_wait3A_211 = arith.constant 12288 : i32
      %dma_wait3A_212 = tpu.memref_slice %arg10[%select_n3A_207, %dma_wait3A_211] : memref<2x16384xi32, #tpu.memory_space<vmem_shared>> -> memref<1x4096xi32, #tpu.memory_space<vmem_shared>>
      %dma_wait3A_213 = tpu.memref_squeeze %dma_wait3A_212 : memref<1x4096xi32, #tpu.memory_space<vmem_shared>> -> memref<4096xi32, #tpu.memory_space<vmem_shared>>
      tpu.wait_dma2 semaphore(%arg12 : memref<!tpu.dma_semaphore, #tpu.memory_space<semaphore_mem>>) src(%dma_wait3A_213 : memref<4096xi32, #tpu.memory_space<vmem_shared>>) dst(%arg7 : memref<4096xi32, #tpu.memory_space<vmem>>)
      %dma_wait3A_214 = arith.constant 4096 : i32
      %dma_wait3A_215 = tpu.memref_slice %arg4[%scan3A_8, %add3A, %dma_wait3A_214] : memref<26x32x16384xf32, #tpu.memory_space<hbm>> -> memref<1x1x4096xf32, #tpu.memory_space<hbm>>
      %dma_wait3A_216 = tpu.memref_squeeze %dma_wait3A_215 : memref<1x1x4096xf32, #tpu.memory_space<hbm>> -> memref<4096xf32, #tpu.memory_space<hbm>>
      %dma_wait3A_217 = arith.constant 4096 : i32
      %dma_wait3A_218 = tpu.memref_slice %arg4[%scan3A_8, %add3A, %dma_wait3A_217] : memref<26x32x16384xf32, #tpu.memory_space<hbm>> -> memref<1x1x4096xf32, #tpu.memory_space<hbm>>
      %dma_wait3A_219 = tpu.memref_squeeze %dma_wait3A_218 : memref<1x1x4096xf32, #tpu.memory_space<hbm>> -> memref<4096xf32, #tpu.memory_space<hbm>>
      tpu.wait_dma2 semaphore(%arg14 : memref<!tpu.dma_semaphore, #tpu.memory_space<semaphore_mem>>) src(%arg9 : memref<4096xf32, #tpu.memory_space<vmem>>) dst(%dma_wait3A_219 : memref<4096xf32, #tpu.memory_space<hbm>>)
      %parallel_loop3A_220 = arith.constant 0 : i32
      %parallel_loop3A_221 = arith.constant 4096 : i32
      %parallel_loop3A_222 = arith.constant 16 : i32
      scf.for %parallel_loop3A_247 = %parallel_loop3A_220 to %parallel_loop3A_221 step %parallel_loop3A_222  : i32 {
        %parallel_loop3A_248 = arith.index_cast %parallel_loop3A_247 : i32 to index
        %parallel_loop3A_249 = tpu.vector_load %arg7[%parallel_loop3A_248] {strides = array<i32>} : memref<4096xi32, #tpu.memory_space<vmem>>, vector<16xi32>,
        %parallel_loop3A_250 = tpu.vector_load_idx %arg5[%parallel_loop3A_249] : memref<100000xf32, #tpu.memory_space<vmem>>[vector<16xi32>], vector<16xf32>,
        %parallel_loop3A_251 = arith.index_cast %parallel_loop3A_247 : i32 to index
        %parallel_loop3A_252 = tpu.vector_load %arg9[%parallel_loop3A_251] {strides = array<i32>} : memref<4096xf32, #tpu.memory_space<vmem>>, vector<16xf32>,
        tpu.vector_store %arg9[%parallel_loop3A_251], %parallel_loop3A_250 {strides = array<i32>} : memref<4096xf32, #tpu.memory_space<vmem>>, vector<16xf32>,
      } {sc.loop_unroll_factor = 8 : i64, sc.parallel_access}
      %dma_start3A_223 = arith.constant 12288 : i32
      %dma_start3A_224 = tpu.memref_slice %arg4[%scan3A_8, %add3A, %dma_start3A_223] : memref<26x32x16384xf32, #tpu.memory_space<hbm>> -> memref<1x1x4096xf32, #tpu.memory_space<hbm>>
      %dma_start3A_225 = tpu.memref_squeeze %dma_start3A_224 : memref<1x1x4096xf32, #tpu.memory_space<hbm>> -> memref<4096xf32, #tpu.memory_space<hbm>>
      %dma_start3A_226 = arith.constant 12288 : i32
      %dma_start3A_227 = tpu.memref_slice %arg4[%scan3A_8, %add3A, %dma_start3A_226] : memref<26x32x16384xf32, #tpu.memory_space<hbm>> -> memref<1x1x4096xf32, #tpu.memory_space<hbm>>
      %dma_start3A_228 = tpu.memref_squeeze %dma_start3A_227 : memref<1x1x4096xf32, #tpu.memory_space<hbm>> -> memref<4096xf32, #tpu.memory_space<hbm>>
      tpu.enqueue_dma source(%arg9 : memref<4096xf32, #tpu.memory_space<vmem>>) target(%dma_start3A_228 : memref<4096xf32, #tpu.memory_space<hbm>>) target_semaphore(%arg14 : memref<!tpu.dma_semaphore, #tpu.memory_space<semaphore_mem>>)
      %dma_wait3A_229 = arith.constant 8192 : i32
      %dma_wait3A_230 = tpu.memref_slice %arg4[%scan3A_8, %add3A, %dma_wait3A_229] : memref<26x32x16384xf32, #tpu.memory_space<hbm>> -> memref<1x1x4096xf32, #tpu.memory_space<hbm>>
      %dma_wait3A_231 = tpu.memref_squeeze %dma_wait3A_230 : memref<1x1x4096xf32, #tpu.memory_space<hbm>> -> memref<4096xf32, #tpu.memory_space<hbm>>
      %dma_wait3A_232 = arith.constant 8192 : i32
      %dma_wait3A_233 = tpu.memref_slice %arg4[%scan3A_8, %add3A, %dma_wait3A_232] : memref<26x32x16384xf32, #tpu.memory_space<hbm>> -> memref<1x1x4096xf32, #tpu.memory_space<hbm>>
      %dma_wait3A_234 = tpu.memref_squeeze %dma_wait3A_233 : memref<1x1x4096xf32, #tpu.memory_space<hbm>> -> memref<4096xf32, #tpu.memory_space<hbm>>
      tpu.wait_dma2 semaphore(%arg13 : memref<!tpu.dma_semaphore, #tpu.memory_space<semaphore_mem>>) src(%arg8 : memref<4096xf32, #tpu.memory_space<vmem>>) dst(%dma_wait3A_234 : memref<4096xf32, #tpu.memory_space<hbm>>)
      %dma_wait3A_235 = arith.constant 12288 : i32
      %dma_wait3A_236 = tpu.memref_slice %arg4[%scan3A_8, %add3A, %dma_wait3A_235] : memref<26x32x16384xf32, #tpu.memory_space<hbm>> -> memref<1x1x4096xf32, #tpu.memory_space<hbm>>
      %dma_wait3A_237 = tpu.memref_squeeze %dma_wait3A_236 : memref<1x1x4096xf32, #tpu.memory_space<hbm>> -> memref<4096xf32, #tpu.memory_space<hbm>>
      %dma_wait3A_238 = arith.constant 12288 : i32
      %dma_wait3A_239 = tpu.memref_slice %arg4[%scan3A_8, %add3A, %dma_wait3A_238] : memref<26x32x16384xf32, #tpu.memory_space<hbm>> -> memref<1x1x4096xf32, #tpu.memory_space<hbm>>
      %dma_wait3A_240 = tpu.memref_squeeze %dma_wait3A_239 : memref<1x1x4096xf32, #tpu.memory_space<hbm>> -> memref<4096xf32, #tpu.memory_space<hbm>>
      tpu.wait_dma2 semaphore(%arg14 : memref<!tpu.dma_semaphore, #tpu.memory_space<semaphore_mem>>) src(%arg9 : memref<4096xf32, #tpu.memory_space<vmem>>) dst(%dma_wait3A_240 : memref<4096xf32, #tpu.memory_space<hbm>>)
      %eq3A_241 = arith.constant 0 : i32
      %eq3A_242 = arith.cmpi eq, %arg1, %eq3A_241 : i32
      %convert_element_type3A_243 = arith.extui %eq3A_242 : i1 to i32
      %cond3A_244 = arith.constant 0 : i32
      %cond3A_245 = arith.cmpi ne, %convert_element_type3A_243, %cond3A_244 : i32
      scf.if %cond3A_245 {
        %add3A_247 = arith.constant 1 : i32
        %add3A_248 = arith.addi %scan3A_8, %add3A_247 : i32
        %min3A = arith.constant 25 : i32
        %min3A_249 = arith.minsi %add3A_248, %min3A : i32
        %add3A_250 = arith.constant 1 : i32
        %add3A_251 = arith.addi %scan3A_8, %add3A_250 : i32
        %jit3A_252 = arith.constant 2 : i32
        %eq3A_253 = arith.constant 0 : i32
        %eq3A_254 = arith.cmpi eq, %jit3A_252, %eq3A_253 : i32
        %jit3A_255 = arith.constant 1 : i32
        %select_n3A_256 = arith.select %eq3A_254, %jit3A_255, %jit3A_252 : i32
        %rem3A_257 = arith.remsi %add3A_251, %select_n3A_256 : i32
        %ne3A_258 = arith.constant 0 : i32
        %ne3A_259 = arith.cmpi ne, %rem3A_257, %ne3A_258 : i32
        %lt3A_260 = arith.constant 0 : i32
        %lt3A_261 = arith.cmpi slt, %rem3A_257, %lt3A_260 : i32
        %lt3A_262 = arith.constant 0 : i32
        %lt3A_263 = arith.cmpi slt, %select_n3A_256, %lt3A_262 : i32
        %ne3A_264 = arith.xori %lt3A_261, %lt3A_263 : i1
        %and3A_265 = arith.andi %ne3A_264, %ne3A_259 : i1
        %add3A_266 = arith.addi %rem3A_257, %select_n3A_256 : i32
        %select_n3A_267 = arith.select %and3A_265, %add3A_266, %rem3A_257 : i32
        %dma_wait3A_268 = arith.constant 0 : i32
        %dma_wait3A_269 = tpu.memref_slice %arg10[%select_n3A_267, %dma_wait3A_268] : memref<2x16384xi32, #tpu.memory_space<vmem_shared>> -> memref<1x16384xi32, #tpu.memory_space<vmem_shared>>
        %dma_wait3A_270 = tpu.memref_squeeze %dma_wait3A_269 : memref<1x16384xi32, #tpu.memory_space<vmem_shared>> -> memref<16384xi32, #tpu.memory_space<vmem_shared>>
        %dma_wait3A_271 = arith.constant 0 : i32
        %dma_wait3A_272 = tpu.memref_slice %arg2[%min3A_249, %dma_wait3A_271] : memref<26x16384xi32, #tpu.memory_space<hbm>> -> memref<1x16384xi32, #tpu.memory_space<hbm>>
        %dma_wait3A_273 = tpu.memref_squeeze %dma_wait3A_272 : memref<1x16384xi32, #tpu.memory_space<hbm>> -> memref<16384xi32, #tpu.memory_space<hbm>>
        tpu.wait_dma2 semaphore(%arg15 : memref<!tpu.dma_semaphore, #tpu.memory_space<semaphore_mem>>) src(%dma_wait3A_273 : memref<16384xi32, #tpu.memory_space<hbm>>) dst(%dma_wait3A_270 : memref<16384xi32, #tpu.memory_space<vmem_shared>>)
      } else {
      }
      %barrier3A_246 = arith.constant 0 : index
      tpu.barrier barrier_id(%barrier3A_246)
    }
    %scan3A_7 = arith.constant 26 : i32
    return
  }
}

</mosaic_0001>

<sc_bundles>
// kernel: kernel.3.cloned.1.call-start
scs
__scs_entry_jumppad:
0x0: {  	(pc) =	sbr.rel $0x88, $3  }
0x1: {  	(tag) =	ssettag $0x0;
	lr =	simm.s32 $0x1  }
0x2: {  	[smem:$0x3F9F] =	sst lr;
	_ =	strace $0xD0000000  }
0x3: {  	_ = 	snop  }
0x4: {  	_ = 	snop  }
0x5: {  	_ = 	snop  }
0x6: {  	_ = 	snop  }
0x7: {  	_ = 	snop  }
__scs_overlays_trampoline_lowered:
0x8: {  	[smem:$0x3FAE] =	sst s0  }
0x9: {  	[smem:$0x3FAF] =	sst s1  }
0xa: {  	[smem:$0x3FB0] =	sst s2  }
0xb: {  	[smem:$0x3FB1] =	sst s3  }
0xc: {  	[smem:$0x3FB2] =	sst s4  }
0xd: {  	[smem:$0x3FB3] =	sst s5  }
0xe: {  	[smem:$0x3FB4] =	sst s6  }
0xf: {  	[smem:$0x3FB5] =	sst s7  }
0x10: {  	[smem:$0x3FB6] =	sst s8  }
0x11: {  	[smem:$0x3FB7] =	sst s9;
	s0 =	simm.s32 @!p0 $0x0  }
0x12: {  	s1 =	sld [smem:$0x3F9D];
	s0 =	simm.s32 @p0 $0x1  }
0x13: {  	[smem:$0x3FB8] =	sst s0;
	s0 =	simm.s32 @!p1 $0x0  }
0x14: {  	s2 =	sld [smem:$0x3F9C];
	s0 =	simm.s32 @p1 $0x1  }
0x15: {  	[smem:$0x3FB9] =	sst s0;
	s0 =	simm.s32 @!p2 $0x0  }
0x16: {  	s3 =	sld [smem:$0x3FDB];
	s0 =	simm.s32 @p2 $0x1  }
0x17: {  	s4 =	simm.s32 $0x1BF5;
	[smem:$0x3FBB] =	sst s0  }
0x18: {  	s0 =	sld [smem:$0x3F9E];
	_ =	swait.ge [sflag:s4], $0x0  }
0x19: {  	s7 =	sld [smem:$0x3F9F]  }
0x1a: {  	s8 =	sadd.s32 $0xFFFFE003, lr  }
0x1b: {  	s9 =	sadd.s32 $0xFFFFFEF7, lr;
	s5 =	simm.s32 $0xFFFFFFFF;
	p2 =	slt.u32 s8, $0xFFFFF086  }
0x1c: {  	p1 =	slt.u32 s9, $0xF7A;
	s5 =	simm.s32 @!p2 $0x0  }
0x1d: {  	s5 =	simm.s32 @p1 $0x1;
	p0 =	seq.s32 s7, s2  }
0x1e: {  	s7 =	smul.u32 @!p0 $0xF7A, s2;
	p2 =	seq.s32 @!p0 s5, $0x0  }
0x1f: {  	s9 =	smul.u32 $0xF7A, s1;
	s8 =	simm.s32 @!p0 $0x1BF5;
	p2 =	por !p2, p0  }
0x20: {  	[sflag:s8] =	ssyncset.s32 @!p0 $0xFFFFF086;
	s6 =	sadd.s32 @!p0 s3, s7;
	s7 =	simm.s32 @!p0 $0x108  }
0x21: {  	s3 =	sadd.s32 s3, s9;
	s6 =	sadd.s32 @!p0 $0x88, s6;
	s7 =	simm.s32 @p2 $0x1082  }
0x22: {  	[simem:s7], [sflag:s8] =	dma.local @!p0 [hbm:s6], $0xF7A  }
0x23: {  	s9 =	sor.u32 $0xD0000000, s2;
	s6 =	simm.s32 $0x108;
	_ =	swait.ge @!p0 [sflag:s8], $0x0  }
0x24: {  	s3 =	sadd.s32 $0x88, s3;
	s6 =	simm.s32 @!p1 $0x1082;
	[sflag:s4] =	ssyncset.s32 $0xFFFFF086  }
0x25: {  	[simem:s6], [sflag:s4] =	dma.local [hbm:s3], $0xF7A  }
0x26: {  	[smem:$0x3F9F] =	sst s1;
	(tag) =	ssettag s2;
	_ =	strace s9  }
0x27: {  	s1 =	sld [smem:$0x3FAF]  }
0x28: {  	s2 =	sld [smem:$0x3FB0]  }
0x29: {  	s4 =	sld [smem:$0x3FB2]  }
0x2a: {  	p0 =	seq.s32 s5, $0x0;
	s5 =	sld [smem:$0x3FB3]  }
0x2b: {  	s6 =	sld [smem:$0x3FB4]  }
0x2c: {  	s7 =	sld [smem:$0x3FB5]  }
0x2d: {  	s3 =	simm.s32 $0x108;
	s8 =	sld [smem:$0x3FB6]  }
0x2e: {  	s3 =	simm.s32 @!p0 $0x1082;
	s9 =	sld [smem:$0x3FB7]  }
0x2f: {  	lr =	sadd.s32 s0, s3;
	s0 =	sld [smem:$0x3FAE]  }
0x30: {  	s3 =	sld [smem:$0x3FB1]  }
0x31: {  	[smem:$0x3FBA] =	sst s10  }
0x32: {  	s10 =	sld [smem:$0x3FB8];
	_ =	sdelay $0x3  }
0x33: {  	p0 =	seq.s32 s10, $0x1;
	s10 =	sld [smem:$0x3FBA];
	_ =	sdelay $0x3  }
0x34: {  	[smem:$0x3FBA] =	sst s10  }
0x35: {  	s10 =	sld [smem:$0x3FB9];
	_ =	sdelay $0x3  }
0x36: {  	p1 =	seq.s32 s10, $0x1;
	s10 =	sld [smem:$0x3FBA];
	_ =	sdelay $0x3  }
0x37: {  	[smem:$0x3FBA] =	sst s10  }
0x38: {  	s10 =	sld [smem:$0x3FBB]  }
0x39: {  	_ = 	snop;
	(pc) =	sbr.ind lr, $3  }
0x3a: {  	_ = 	snop  }
0x3b: {  	_ = 	snop  }
0x3c: {  	p2 =	seq.s32 s10, $0x1;
	s10 =	sld [smem:$0x3FBA]  }
0x3d: {  	_ =	shalt  }
0x3e: {  	_ =	shalt  }
0x3f: {  	_ =	shalt  }
0x40: {  	_ =	shalt  }
0x41: {  	_ =	shalt  }
0x42: {  	_ =	shalt  }
0x43: {  	_ =	shalt  }
0x44: {  	_ =	shalt  }
0x45: {  	_ =	shalt  }
0x46: {  	_ =	shalt  }
0x47: {  	_ =	shalt  }
0x48: {  	_ =	shalt  }
0x49: {  	_ =	shalt  }
0x4a: {  	_ =	shalt  }
0x4b: {  	_ =	shalt  }
0x4c: {  	_ =	shalt  }
0x4d: {  	_ =	shalt  }
0x4e: {  	_ =	shalt  }
0x4f: {  	_ =	shalt  }
0x50: {  	_ =	shalt  }
0x51: {  	_ =	shalt  }
0x52: {  	_ =	shalt  }
0x53: {  	_ =	shalt  }
0x54: {  	_ =	shalt  }
0x55: {  	_ =	shalt  }
0x56: {  	_ =	shalt  }
0x57: {  	_ =	shalt  }
0x58: {  	_ =	shalt  }
0x59: {  	_ =	shalt  }
0x5a: {  	_ =	shalt  }
0x5b: {  	_ =	shalt  }
0x5c: {  	_ =	shalt  }
0x5d: {  	_ =	shalt  }
0x5e: {  	_ =	shalt  }
0x5f: {  	_ =	shalt  }
0x60: {  	_ =	shalt  }
0x61: {  	_ =	shalt  }
0x62: {  	_ =	shalt  }
0x63: {  	_ =	shalt  }
0x64: {  	_ =	shalt  }
0x65: {  	_ =	shalt  }
0x66: {  	_ =	shalt  }
0x67: {  	_ =	shalt  }
0x68: {  	_ =	shalt  }
0x69: {  	_ =	shalt  }
0x6a: {  	_ =	shalt  }
0x6b: {  	_ =	shalt  }
0x6c: {  	_ =	shalt  }
0x6d: {  	_ =	shalt  }
0x6e: {  	_ =	shalt  }
0x6f: {  	_ =	shalt  }
0x70: {  	_ =	shalt  }
0x71: {  	_ =	shalt  }
0x72: {  	_ =	shalt  }
0x73: {  	_ =	shalt  }
0x74: {  	_ =	shalt  }
0x75: {  	_ =	shalt  }
0x76: {  	_ =	shalt  }
0x77: {  	_ =	shalt  }
0x78: {  	_ =	shalt  }
0x79: {  	_ =	shalt  }
0x7a: {  	_ =	shalt  }
0x7b: {  	_ =	shalt  }
0x7c: {  	_ =	shalt  }
0x7d: {  	_ =	shalt  }
0x7e: {  	_ =	shalt  }
0x7f: {  	_ =	shalt  }
0x80: {  	_ =	shalt  }
0x81: {  	_ =	shalt  }
0x82: {  	_ =	shalt  }
0x83: {  	_ =	shalt  }
0x84: {  	_ =	shalt  }
0x85: {  	_ =	shalt  }
0x86: {  	_ =	shalt  }
0x87: {  	_ =	shalt  }
.Lfunc_end0:
.L_simem_size_0:
called_computation_lowered:
.L_overlay_start_0:
0x88: {  	s2 =	sld [smem:$0x3FD9]  }
0x89: {  	s3 =	sld [smem:$0x3FFE];
	_ =	sdelay $0x1  }
0x8a: {  	s1 =	srdreg.scid  }
0x8b: {  	s0 =	sand.u32 $0x1, s1  }
0x8c: {  	s18 =	sshll.u32 s0, $0xA;
	s2 =	sadd.s32 s3, s2  }
0x8d: {  	s2 =	sadd.s32 s2, s18  }
0x8e: {  	[smem:$0x3FC6] =	sst s2  }
0x8f: {  	_ = 	snop  }
0x90: {  	s2 =	sld [smem:$0x3FC9]  }
0x91: {  	s19 =	sld [smem:$0x3FC8]  }
0x92: {  	s4 =	sld [smem:$0x3FD0];
	(tm) =	ssettm $0x1  }
0x93: {  	s5 =	sld [smem:$0x3FFB];
	_ =	sdelay $0x3  }
0x94: {  	_ =	strace s5  }
0x95: {  	s5 =	sld [smem:$0x3FFC];
	_ =	sdelay $0x3  }
0x96: {  	_ =	strace s5  }
0x97: {  	s5 =	sld [smem:$0x3FFD];
	_ =	sdelay $0x3  }
0x98: {  	_ =	strace s5  }
0x99: {  	_ =	strace $0x8FFFFFFF  }
0x9a: {  	s20 =	sld [smem:$0x3FDB];
	_ =	sdelay $0x1  }
0x9b: {  	s6 =	simm.s32 $_scs_section_size  }
0x9c: {  	s7 =	simm.s32 $_size__tile_overlayer_lowered;
	s8 =	simm.s32 $_tile_overlayer_lowered  }
0x9d: {  	s23 =	simm.s32 $0x1BFF;
	s22 =	sshll.u32 s8, $0x1;
	s5 =	sadd.s32 s6, s20  }
0x9e: {  	s9 =	simm.s32 $0x0;
	s21 =	sshll.u32 s7, $0x1;
	s7 =	sadd.s32 s22, s5  }
0x9f: {  	[timem:s9], [sflag:s23] =	dma.local [hbm:s7], s21  }
0xa0: {  	_ =	swait.ge [sflag:s23], s21  }
0xa1: {  	s6 =	ssub.s32 $0x0, s21;
	[sflag:s23] =	ssyncset.done $0x0  }
0xa2: {  	[sflag:s23] =	ssyncadd.s32 s6;
	_ =	sdelay $0x1  }
0xa3: {  	s24 =	simm.s32 $0x1B8B  }
0xa4: {  	_ =	swait.ge [sflag:s24], $0x1  }
0xa5: {  	[sflag:s24] =	ssyncset.done $0x0  }
0xa6: {  	s25 =	simm.s32 $0x1B8E;
	[sflag:s24] =	ssyncadd.s32 $0xFFFFFFFF  }
0xa7: {  	s26 =	simm.s32 $execute0_lowered;
	[smem:$0x3FD2] =	sst s25  }
0xa8: {  	s6 =	sshll.u32 s26, $0x1;
	_ =	strace $0x80000046;
	[dreg:$0x1] =	wrdreg $0xFFFFFFFF  }
0xa9: {  	s28 =	simm.s32 $_size_execute0_lowered;
	s5 =	sadd.s32 s5, s6;
	[dreg:$0x0] =	wrdreg $0x0  }
0xaa: {  	s6 =	sshll.u32 s28, $0x1;
	[dreg:$0x2] =	wrdreg s5  }
0xab: {  	[dreg:$0x3] =	wrdreg s6  }
0xac: {  	[dreg:$0x4] =	wrdreg $0xC0  }
0xad: {  	_ =	task [dreg:s9], $0x5FFFF  }
0xae: {  	[dreg:$0x1] =	wrdreg $0xFFFFFFFF  }
0xaf: {  	[dreg:$0x0] =	wrdreg $0x60  }
0xb0: {  	[dreg:$0x2] =	wrdreg s2  }
0xb1: {  	[dreg:$0x3] =	wrdreg s19  }
0xb2: {  	[dreg:$0x4] =	wrdreg s4  }
0xb3: {  	[dreg:$0x5] =	wrdreg $0x1C7000  }
0xb4: {  	[dreg:$0x6] =	wrdreg $0x9  }
0xb5: {  	_ =	task.clear_ibuf [dreg:s9], $0x7FFFF;
	_ =	strace $0x90000046  }
0xb6: {  	s29 =	simm.s32 $0x9;
	_ =	strace $0x80000048  }
0xb7: {  	_ =	swait.ge [sflag:s29], $0x1  }
0xb8: {  	[sflag:s29] =	ssyncadd.s32 $0xFFFFFFFF  }
0xb9: {  	_ =	strace $0x90000048  }
0xba: {  	_ =	sfence  }
0xbb: {  	s30 =	sld [smem:$0x0];
	_ =	sdelay $0x2  }
0xbc: {  	s31 =	sshll.u32 s1, $0xD;
	s1 =	sshrl.u32 s1, $0x2  }
0xbd: {  	s3 =	sand.u32 $0x4000, s31;
	s1 =	sadd.s32 s1, s30  }
0xbe: {  	s0 =	sor.u32 s3, s0;
	s1 =	sshll.u32 s1, $0x11  }
0xbf: {  	s0 =	sor.u32 s1, s0  }
0xc0: {  	s0 =	sadd.s32 $0x8F2B, s0  }
0xc1: {  	[sflag:s0] =	ssyncadd.remote.s32 $0x1  }
0xc2: {  	_ =	sfence.sel $0xFFFF  }
0xc3: {  	[dreg:$0x0] =	wrdreg $0xFFFFFFFF;
	(pc) =	sbr.abs _section_cstart, $3  }
0xc4: {  	[dreg:$0x1] =	wrdreg $0xFFFFFFFF  }
0xc5: {  	_ =	task.clear_ibuf [dreg:s9], $0x2FFFF;
	_ =	strace $0x9FFFFFFF  }
0xc6: {  	(tm) =	ssettm $0x7FFFFFFF  }
0xc7: {  	_ =	shalt  }
tec
execute0_lowered:
.L_overlay_start_1:
0x0: {  	(tag) =	ssettag $0x1  }
0x1: {  	s0 =	rddreg [dreg:$0x0]  }
0x2: {  	s1 =	srdreg.scid;
	s3 =	rddreg [dreg:$0x2]  }
0x3: {  	s4 =	rddreg [dreg:$0x3];
	s2 =	stileid.u32  }
0x4: {  	s5 =	simm.s32 $0x0;
	s14 =	simm.s32 $0x80;
	s15 =	simm.s32 $0x100  }
0x5: {  	s16 =	simm.s32 $0x18700;
	s17 =	simm.s32 $0x400;
	s18 =	simm.s32 $0x6  }
0x6: {  	s19 =	simm.s32 $0x19700;
	s20 =	simm.s32 $0x1;
	s21 =	simm.s32 $0x1A700  }
0x7: {  	s22 =	simm.s32 $0x2;
	s23 =	simm.s32 $0x1B700;
	s24 =	simm.s32 $0x3  }
0x8: {  	s25 =	simm.s32 $0x4;
	s1 =	sand.u32 $0x1, s1;
	[smem:$0x7FF] =	sst s5  }
0x9: {  	s7 =	sshll.u32 s2, $0x7;
	s10 =	sadd.s32 $0x2000, s3;
	s11 =	sadd.s32 $0x3000, s3  }
0xa: {  	p0 =	sne.s32 s2, $0x0;
	s6 =	sshll.u32 s1, $0x4;
	s1 =	ssub.s32 $0x2, s1  }
0xb: {  	_ =	strace $0x80000047;
	s6 =	sor.u32 s2, s6;
	s31 =	sshrl.u32 s1, $0x1  }
0xc: {  	s2 =	simm.s32 $0x0;
	s8 =	sshrl.u32 s6, $0x3;
	s1 =	ssub.s32 s1, s31  }
0xd: {  	s6 =	sand.u32 $0x380, s7;
	s9 =	smul.u32 $0xC3800, s8;
	s1 =	smax.u32 s1, $0x1  }
0xe: {  	s8 =	sshll.u32 s8, $0x11;
	[dreg:$0x5] =	wrdreg s1;
	s1 =	sshrl.u32 @!p0 s4, $0x3  }
0xf: {  	s7 =	sor.u32 s6, s9;
	s9 =	sadd.s32 $0x1000, s3;
	[dreg:$0x6] =	wrdreg s1  }
.LBB2_1:
0x10: {  	[dreg:$0x7] =	wrdreg s2;
	s28 =	simm.s32 @!p0 $0x1;
	s29 =	simm.s32 @!p0 $0x20  }
0x11: {  	s30 =	simm.s32 @!p0 $0x80;
	s1 =	simm.s32 @!p0 $0x1C06;
	s2 =	rddreg [dreg:$0x6]  }
0x12: {  	[spmem:s2@s29], [sflag:s1] =	dma.strided @!p0 [hbm:s0@s30], $0x800, s28, $0x10   }
0x13: {  	s1 =	simm.s32 @!p0 $0x6  }
0x14: {  	_ =	swait.ge @!p0 [sflag:s1], $0x800  }
0x15: {  	[sflag:s1] =	ssyncset.done @!p0 $0x0  }
0x16: {  	[sflag:s1] =	ssyncadd.s32 @!p0 $0xFFFFF800  }
0x17: {  	s31 =	simm.s32 $0x0;
	[bflag:$0x0] =	sbarrier.arrive $0xFFFF  }
.LBB2_2:
0x18: {  	s1 =	sadd.s32 @!p0 $0x1, s31  }
0x19: {  	s2 =	smin.u32 @!p0 s1, $0x19  }
0x1a: {  	s26 =	sshll.u32 s31, $0x7;
	s1 =	sshll.u32 @!p0 s1, $0x7;
	s12 =	sshll.u32 @!p0 s2, $0x4  }
0x1b: {  	s2 =	sshll.u32 @!p0 s2, $0xB;
	s1 =	sand.u32 @!p0 $0x80, s1;
	s12 =	sand.u32 @!p0 $0x70, s12  }
0x1c: {  	s2 =	sand.u32 @!p0 $0xC000, s2;
	s1 =	sadd.s32 @!p0 s1, s4;
	s12 =	sadd.s32 @!p0 s0, s12  }
0x1d: {  	s1 =	sshrl.u32 @!p0 s1, $0x3;
	s2 =	sadd.s32 @!p0 s2, s12;
	s12 =	simm.s32 @!p0 $0x1C05  }
0x1e: {  	[spmem:s1@s29], [sflag:s12] =	dma.strided @!p0 [hbm:s2@s30], $0x800, s28, $0x10   }
0x1f: {  	s1 =	sand.u32 $0x80, s26  }
0x20: {  	s2 =	smul.u32 $0x30E000, s31;
	s12 =	sadd.s32 s1, s4  }
0x21: {  	[tilespmem:s16], [sflag:$0x1] =	stream.strided.gather [spmem:s12], $0x1000, s15, s14, $0x38;
	[tilespmem:$0x1CF00] =	vst v63  }
0x22: {  	s1 =	sadd.s32 s7, s2  }
0x23: {  	s2 =	rddreg [dreg:$0x1];
	s1 =	sshrl.u32 s1, $0x3  }
0x24: {  	s1 =	sadd.s32 s2, s1  }
0x25: {  	[tilespmem:s5], [sflag:$0x6] =	stream.strided.gather [hbm4b:s1+s14], $0x18700, s17, s14, $0x38;
	[tilespmem:$0x1CF00] =	vst v63  }
0x26: {  	_ =	swait.ge [sflag:s18], $0x18700  }
0x27: {  	[sflag:s18] =	ssyncset.done $0x0  }
0x28: {  	s13 =	sadd.s32 $0x2000, s12;
	[sflag:s18] =	ssyncadd.s32 $0xFFFE7900  }
0x29: {  	[tilespmem:s19], [sflag:$0x2] =	stream.strided.gather [spmem:s13], $0x1000, s15, s14, $0x38;
	[tilespmem:$0x1CF00] =	vst v63  }
0x2a: {  	_ =	swait.ge [sflag:s20], $0x1000  }
0x2b: {  	[sflag:s20] =	ssyncset.done $0x0  }
0x2c: {  	s26 =	simm.s32 $0x18740;
	[sflag:s20] =	ssyncadd.s32 $0xFFFFF000  }
0x2d: {  	v0 =	vld [tilespmem:s26+$0x30]  }
0x2e: {  	v1 =	vld [tilespmem:s26+$0xFFFFFFD0]  }
0x2f: {  	v2 =	vld [tilespmem:s26+$0xFFFFFFE0]  }
0x30: {  	v3 =	vld [tilespmem:s26+$0xFFFFFFF0]  }
0x31: {  	v6 =	vld [tilespmem:s26+$0x0]  }
0x32: {  	v7 =	vld [tilespmem:s26+$0x10]  }
0x33: {  	v8 =	vld [tilespmem:s26+$0x20]  }
0x34: {  	v9 =	vld [tilespmem:s26+$0xFFFFFFC0]  }
0x35: {  	v10 =	vld.idx.msk [tilespmem:v0+s5+$0x0], $0xffff  }
0x36: {  	v11 =	vld.idx.msk [tilespmem:v1+s5+$0x0], $0xffff  }
0x37: {  	v5 =	vld.idx.msk [tilespmem:v2+s5+$0x0], $0xffff  }
0x38: {  	v4 =	vld.idx.msk [tilespmem:v3+s5+$0x0], $0xffff  }
0x39: {  	v3 =	vld.idx.msk [tilespmem:v6+s5+$0x0], $0xffff  }
0x3a: {  	s13 =	simm.s32 $0x1A740;
	v1 =	vld.idx.msk [tilespmem:v7+s5+$0x0], $0xffff  }
0x3b: {  	v0 =	vld.idx.msk [tilespmem:v8+s5+$0x0], $0xffff;
	[tilespmem:s13+$0x30] =	vst v10  }
0x3c: {  	s2 =	simm.s32 $0x0;
	s26 =	simm.s32 $0x187C0;
	v2 =	vld.idx.msk [tilespmem:v9+s5+$0x0], $0xffff;
	[tilespmem:s13+$0xFFFFFFD0] =	vst v11  }
.LBB2_3:
0x3d: {  	v6 =	vld [tilespmem:s26+$0x30];
	s2 =	sadd.s32 $0x80, s2;
	[tilespmem:s13+$0xFFFFFFE0] =	vst v5  }
0x3e: {  	v5 =	vld [tilespmem:s26+$0xFFFFFFD0];
	p1 =	slt.u32 s2, $0xF80;
	[tilespmem:s13+$0xFFFFFFF0] =	vst v4  }
0x3f: {  	v4 =	vld [tilespmem:s26+$0xFFFFFFE0];
	[tilespmem:s13+$0x0] =	vst v3  }
0x40: {  	v3 =	vld [tilespmem:s26+$0xFFFFFFF0];
	[tilespmem:s13+$0x10] =	vst v1  }
0x41: {  	v1 =	vld [tilespmem:s26+$0x0];
	[tilespmem:s13+$0x20] =	vst v0  }
0x42: {  	v0 =	vld [tilespmem:s26+$0x10];
	[tilespmem:s13+$0xFFFFFFC0] =	vst v2  }
0x43: {  	v2 =	vld [tilespmem:s26+$0x20]  }
0x44: {  	v7 =	vld [tilespmem:s26+$0xFFFFFFC0]  }
0x45: {  	v6 =	vld.idx.msk [tilespmem:v6+s5+$0x0], $0xffff  }
0x46: {  	v8 =	vld.idx.msk [tilespmem:v5+s5+$0x0], $0xffff  }
0x47: {  	v5 =	vld.idx.msk [tilespmem:v4+s5+$0x0], $0xffff  }
.Ltmp0:
0x48: {  	v4 =	vld.idx.msk [tilespmem:v3+s5+$0x0], $0xffff;
	(pc) =	sbr.rel @p1 .LBB2_3-.Ltmp0, $4  }
0x49: {  	v3 =	vld.idx.msk [tilespmem:v1+s5+$0x0], $0xffff  }
0x4a: {  	s13 =	sadd.s32 $0x80, s13;
	v1 =	vld.idx.msk [tilespmem:v0+s5+$0x0], $0xffff  }
0x4b: {  	v0 =	vld.idx.msk [tilespmem:v2+s5+$0x0], $0xffff;
	[tilespmem:s13+$0x30] =	vst v6  }
0x4c: {  	s26 =	sadd.s32 $0x80, s26;
	v2 =	vld.idx.msk [tilespmem:v7+s5+$0x0], $0xffff;
	[tilespmem:s13+$0xFFFFFFD0] =	vst v8  }
0x4d: {  	[tilespmem:s13+$0xFFFFFFE0] =	vst v5  }
0x4e: {  	[tilespmem:s13+$0xFFFFFFF0] =	vst v4;
	s1 =	sshll.u32 s31, $0x13  }
0x4f: {  	[tilespmem:s13+$0x0] =	vst v3;
	s1 =	sor.u32 s1, s8  }
0x50: {  	[tilespmem:s13+$0x10] =	vst v1;
	s1 =	sor.u32 s6, s1  }
0x51: {  	[tilespmem:s13+$0x20] =	vst v0;
	s2 =	sshrl.u32 s1, $0x3  }
0x52: {  	[tilespmem:s13+$0xFFFFFFC0] =	vst v2;
	s1 =	sadd.s32 s3, s2  }
0x53: {  	[hbm4b:s1+s14] =	stream.strided.scatter [tilespmem:s21], [sflag:$0x3], $0x1000, s17, s14, $0x38;
	[tilespmem:$0x1CF00] =	vst v63  }
0x54: {  	s13 =	sadd.s32 $0x4000, s12  }
0x55: {  	[tilespmem:s16], [sflag:$0x1] =	stream.strided.gather [spmem:s13], $0x1000, s15, s14, $0x38;
	[tilespmem:$0x1CF00] =	vst v63  }
0x56: {  	_ =	swait.ge [sflag:s22], $0x1000  }
0x57: {  	[sflag:s22] =	ssyncset.done $0x0  }
0x58: {  	s26 =	simm.s32 $0x19740;
	[sflag:s22] =	ssyncadd.s32 $0xFFFFF000  }
0x59: {  	v0 =	vld [tilespmem:s26+$0x30]  }
0x5a: {  	v1 =	vld [tilespmem:s26+$0xFFFFFFD0]  }
0x5b: {  	v2 =	vld [tilespmem:s26+$0xFFFFFFE0]  }
0x5c: {  	v3 =	vld [tilespmem:s26+$0xFFFFFFF0]  }
0x5d: {  	v4 =	vld [tilespmem:s26+$0x0]  }
0x5e: {  	v6 =	vld [tilespmem:s26+$0x10]  }
0x5f: {  	v7 =	vld [tilespmem:s26+$0x20]  }
0x60: {  	v8 =	vld [tilespmem:s26+$0xFFFFFFC0]  }
0x61: {  	v9 =	vld.idx.msk [tilespmem:v0+s5+$0x0], $0xffff  }
0x62: {  	v10 =	vld.idx.msk [tilespmem:v1+s5+$0x0], $0xffff  }
0x63: {  	v5 =	vld.idx.msk [tilespmem:v2+s5+$0x0], $0xffff  }
0x64: {  	v3 =	vld.idx.msk [tilespmem:v3+s5+$0x0], $0xffff  }
0x65: {  	v0 =	vld.idx.msk [tilespmem:v4+s5+$0x0], $0xffff  }
0x66: {  	s13 =	simm.s32 $0x1B740;
	v1 =	vld.idx.msk [tilespmem:v6+s5+$0x0], $0xffff  }
0x67: {  	v2 =	vld.idx.msk [tilespmem:v7+s5+$0x0], $0xffff;
	[tilespmem:s13+$0x30] =	vst v9  }
0x68: {  	s1 =	simm.s32 $0x197C0;
	s26 =	simm.s32 $0x0;
	v4 =	vld.idx.msk [tilespmem:v8+s5+$0x0], $0xffff;
	[tilespmem:s13+$0xFFFFFFD0] =	vst v10  }
.LBB2_5:
0x69: {  	v6 =	vld [tilespmem:s1+$0x30];
	s26 =	sadd.s32 $0x80, s26;
	[tilespmem:s13+$0xFFFFFFE0] =	vst v5  }
0x6a: {  	v5 =	vld [tilespmem:s1+$0xFFFFFFD0];
	p1 =	slt.u32 s26, $0xF80;
	[tilespmem:s13+$0xFFFFFFF0] =	vst v3  }
0x6b: {  	v3 =	vld [tilespmem:s1+$0xFFFFFFE0];
	[tilespmem:s13+$0x0] =	vst v0  }
0x6c: {  	v0 =	vld [tilespmem:s1+$0xFFFFFFF0];
	[tilespmem:s13+$0x10] =	vst v1  }
0x6d: {  	v1 =	vld [tilespmem:s1+$0x0];
	[tilespmem:s13+$0x20] =	vst v2  }
0x6e: {  	v2 =	vld [tilespmem:s1+$0x10];
	[tilespmem:s13+$0xFFFFFFC0] =	vst v4  }
0x6f: {  	v4 =	vld [tilespmem:s1+$0x20]  }
0x70: {  	v7 =	vld [tilespmem:s1+$0xFFFFFFC0]  }
0x71: {  	v6 =	vld.idx.msk [tilespmem:v6+s5+$0x0], $0xffff  }
0x72: {  	v8 =	vld.idx.msk [tilespmem:v5+s5+$0x0], $0xffff  }
0x73: {  	v5 =	vld.idx.msk [tilespmem:v3+s5+$0x0], $0xffff  }
.Ltmp1:
0x74: {  	v3 =	vld.idx.msk [tilespmem:v0+s5+$0x0], $0xffff;
	(pc) =	sbr.rel @p1 .LBB2_5-.Ltmp1, $4  }
0x75: {  	v0 =	vld.idx.msk [tilespmem:v1+s5+$0x0], $0xffff  }
0x76: {  	s13 =	sadd.s32 $0x80, s13;
	v1 =	vld.idx.msk [tilespmem:v2+s5+$0x0], $0xffff  }
0x77: {  	v2 =	vld.idx.msk [tilespmem:v4+s5+$0x0], $0xffff;
	[tilespmem:s13+$0x30] =	vst v6  }
0x78: {  	s1 =	sadd.s32 $0x80, s1;
	v4 =	vld.idx.msk [tilespmem:v7+s5+$0x0], $0xffff;
	[tilespmem:s13+$0xFFFFFFD0] =	vst v8  }
0x79: {  	[tilespmem:s13+$0xFFFFFFE0] =	vst v5  }
0x7a: {  	[tilespmem:s13+$0xFFFFFFF0] =	vst v3  }
0x7b: {  	[tilespmem:s13+$0x0] =	vst v0  }
0x7c: {  	[tilespmem:s13+$0x10] =	vst v1  }
0x7d: {  	[tilespmem:s13+$0x20] =	vst v2  }
0x7e: {  	s1 =	sadd.s32 s2, s9;
	[tilespmem:s13+$0xFFFFFFC0] =	vst v4  }
0x7f: {  	[hbm4b:s1+s14] =	stream.strided.scatter [tilespmem:s23], [sflag:$0x4], $0x1000, s17, s14, $0x38;
	[tilespmem:$0x1CF00] =	vst v63  }
0x80: {  	s13 =	sadd.s32 $0x6000, s12  }
0x81: {  	[tilespmem:s19], [sflag:$0x2] =	stream.strided.gather [spmem:s13], $0x1000, s15, s14, $0x38;
	[tilespmem:$0x1CF00] =	vst v63  }
0x82: {  	_ =	swait.ge [sflag:s20], $0x1000  }
0x83: {  	[sflag:s20] =	ssyncset.done $0x0  }
0x84: {  	[sflag:s20] =	ssyncadd.s32 $0xFFFFF000  }
0x85: {  	_ =	swait.ge [sflag:s24], $0x1000  }
0x86: {  	[sflag:s24] =	ssyncset.done $0x0  }
0x87: {  	s26 =	simm.s32 $0x18740;
	[sflag:s24] =	ssyncadd.s32 $0xFFFFF000  }
0x88: {  	v0 =	vld [tilespmem:s26+$0x30]  }
0x89: {  	v1 =	vld [tilespmem:s26+$0xFFFFFFD0]  }
0x8a: {  	v2 =	vld [tilespmem:s26+$0xFFFFFFE0]  }
0x8b: {  	v3 =	vld [tilespmem:s26+$0xFFFFFFF0]  }
0x8c: {  	v4 =	vld [tilespmem:s26+$0x0]  }
0x8d: {  	v6 =	vld [tilespmem:s26+$0x10]  }
0x8e: {  	v7 =	vld [tilespmem:s26+$0x20]  }
0x8f: {  	v8 =	vld [tilespmem:s26+$0xFFFFFFC0]  }
0x90: {  	v9 =	vld.idx.msk [tilespmem:v0+s5+$0x0], $0xffff  }
0x91: {  	v10 =	vld.idx.msk [tilespmem:v1+s5+$0x0], $0xffff  }
0x92: {  	v5 =	vld.idx.msk [tilespmem:v2+s5+$0x0], $0xffff  }
0x93: {  	v3 =	vld.idx.msk [tilespmem:v3+s5+$0x0], $0xffff  }
0x94: {  	v0 =	vld.idx.msk [tilespmem:v4+s5+$0x0], $0xffff  }
0x95: {  	s12 =	simm.s32 $0x1A740;
	v1 =	vld.idx.msk [tilespmem:v6+s5+$0x0], $0xffff  }
0x96: {  	v2 =	vld.idx.msk [tilespmem:v7+s5+$0x0], $0xffff;
	[tilespmem:s12+$0x30] =	vst v9  }
0x97: {  	s1 =	simm.s32 $0x187C0;
	s13 =	simm.s32 $0x0;
	v4 =	vld.idx.msk [tilespmem:v8+s5+$0x0], $0xffff;
	[tilespmem:s12+$0xFFFFFFD0] =	vst v10  }
.LBB2_7:
0x98: {  	v6 =	vld [tilespmem:s1+$0x30];
	s13 =	sadd.s32 $0x80, s13;
	[tilespmem:s12+$0xFFFFFFE0] =	vst v5  }
0x99: {  	v5 =	vld [tilespmem:s1+$0xFFFFFFD0];
	p1 =	slt.u32 s13, $0xF80;
	[tilespmem:s12+$0xFFFFFFF0] =	vst v3  }
0x9a: {  	v3 =	vld [tilespmem:s1+$0xFFFFFFE0];
	[tilespmem:s12+$0x0] =	vst v0  }
0x9b: {  	v0 =	vld [tilespmem:s1+$0xFFFFFFF0];
	[tilespmem:s12+$0x10] =	vst v1  }
0x9c: {  	v1 =	vld [tilespmem:s1+$0x0];
	[tilespmem:s12+$0x20] =	vst v2  }
0x9d: {  	v2 =	vld [tilespmem:s1+$0x10];
	[tilespmem:s12+$0xFFFFFFC0] =	vst v4  }
0x9e: {  	v4 =	vld [tilespmem:s1+$0x20]  }
0x9f: {  	v7 =	vld [tilespmem:s1+$0xFFFFFFC0]  }
0xa0: {  	v6 =	vld.idx.msk [tilespmem:v6+s5+$0x0], $0xffff  }
0xa1: {  	v8 =	vld.idx.msk [tilespmem:v5+s5+$0x0], $0xffff  }
0xa2: {  	v5 =	vld.idx.msk [tilespmem:v3+s5+$0x0], $0xffff  }
.Ltmp2:
0xa3: {  	v3 =	vld.idx.msk [tilespmem:v0+s5+$0x0], $0xffff;
	(pc) =	sbr.rel @p1 .LBB2_7-.Ltmp2, $4  }
0xa4: {  	v0 =	vld.idx.msk [tilespmem:v1+s5+$0x0], $0xffff  }
0xa5: {  	s12 =	sadd.s32 $0x80, s12;
	v1 =	vld.idx.msk [tilespmem:v2+s5+$0x0], $0xffff  }
0xa6: {  	v2 =	vld.idx.msk [tilespmem:v4+s5+$0x0], $0xffff;
	[tilespmem:s12+$0x30] =	vst v6  }
0xa7: {  	s1 =	sadd.s32 $0x80, s1;
	v4 =	vld.idx.msk [tilespmem:v7+s5+$0x0], $0xffff;
	[tilespmem:s12+$0xFFFFFFD0] =	vst v8  }
0xa8: {  	[tilespmem:s12+$0xFFFFFFE0] =	vst v5  }
0xa9: {  	[tilespmem:s12+$0xFFFFFFF0] =	vst v3  }
0xaa: {  	[tilespmem:s12+$0x0] =	vst v0  }
0xab: {  	[tilespmem:s12+$0x10] =	vst v1  }
0xac: {  	[tilespmem:s12+$0x20] =	vst v2  }
0xad: {  	s1 =	sadd.s32 s2, s10;
	[tilespmem:s12+$0xFFFFFFC0] =	vst v4  }
0xae: {  	[hbm4b:s1+s14] =	stream.strided.scatter [tilespmem:s21], [sflag:$0x3], $0x1000, s17, s14, $0x38;
	[tilespmem:$0x1CF00] =	vst v63  }
0xaf: {  	_ =	swait.ge [sflag:s22], $0x1000  }
0xb0: {  	[sflag:s22] =	ssyncset.done $0x0  }
0xb1: {  	[sflag:s22] =	ssyncadd.s32 $0xFFFFF000  }
0xb2: {  	_ =	swait.ge [sflag:s25], $0x1000  }
0xb3: {  	[sflag:s25] =	ssyncset.done $0x0  }
0xb4: {  	s26 =	simm.s32 $0x19740;
	[sflag:s25] =	ssyncadd.s32 $0xFFFFF000  }
0xb5: {  	v0 =	vld [tilespmem:s26+$0x30]  }
0xb6: {  	v1 =	vld [tilespmem:s26+$0xFFFFFFD0]  }
0xb7: {  	v2 =	vld [tilespmem:s26+$0xFFFFFFE0]  }
0xb8: {  	v3 =	vld [tilespmem:s26+$0xFFFFFFF0]  }
0xb9: {  	v4 =	vld [tilespmem:s26+$0x0]  }
0xba: {  	v6 =	vld [tilespmem:s26+$0x10]  }
0xbb: {  	v7 =	vld [tilespmem:s26+$0x20]  }
0xbc: {  	v8 =	vld [tilespmem:s26+$0xFFFFFFC0]  }
0xbd: {  	v9 =	vld.idx.msk [tilespmem:v0+s5+$0x0], $0xffff  }
0xbe: {  	v10 =	vld.idx.msk [tilespmem:v1+s5+$0x0], $0xffff  }
0xbf: {  	v5 =	vld.idx.msk [tilespmem:v2+s5+$0x0], $0xffff  }
0xc0: {  	v3 =	vld.idx.msk [tilespmem:v3+s5+$0x0], $0xffff  }
0xc1: {  	v0 =	vld.idx.msk [tilespmem:v4+s5+$0x0], $0xffff  }
0xc2: {  	s12 =	simm.s32 $0x1B740;
	v1 =	vld.idx.msk [tilespmem:v6+s5+$0x0], $0xffff  }
0xc3: {  	v2 =	vld.idx.msk [tilespmem:v7+s5+$0x0], $0xffff;
	[tilespmem:s12+$0x30] =	vst v9  }
0xc4: {  	s13 =	simm.s32 $0x0;
	s1 =	simm.s32 $0x197C0;
	v4 =	vld.idx.msk [tilespmem:v8+s5+$0x0], $0xffff;
	[tilespmem:s12+$0xFFFFFFD0] =	vst v10  }
.LBB2_9:
0xc5: {  	v6 =	vld [tilespmem:s1+$0x30];
	s13 =	sadd.s32 $0x80, s13;
	[tilespmem:s12+$0xFFFFFFE0] =	vst v5  }
0xc6: {  	v5 =	vld [tilespmem:s1+$0xFFFFFFD0];
	p1 =	slt.u32 s13, $0xF80;
	[tilespmem:s12+$0xFFFFFFF0] =	vst v3  }
0xc7: {  	v3 =	vld [tilespmem:s1+$0xFFFFFFE0];
	[tilespmem:s12+$0x0] =	vst v0  }
0xc8: {  	v0 =	vld [tilespmem:s1+$0xFFFFFFF0];
	[tilespmem:s12+$0x10] =	vst v1  }
0xc9: {  	v1 =	vld [tilespmem:s1+$0x0];
	[tilespmem:s12+$0x20] =	vst v2  }
0xca: {  	v2 =	vld [tilespmem:s1+$0x10];
	[tilespmem:s12+$0xFFFFFFC0] =	vst v4  }
0xcb: {  	v4 =	vld [tilespmem:s1+$0x20]  }
0xcc: {  	v7 =	vld [tilespmem:s1+$0xFFFFFFC0]  }
0xcd: {  	v6 =	vld.idx.msk [tilespmem:v6+s5+$0x0], $0xffff  }
0xce: {  	v8 =	vld.idx.msk [tilespmem:v5+s5+$0x0], $0xffff  }
0xcf: {  	v5 =	vld.idx.msk [tilespmem:v3+s5+$0x0], $0xffff  }
.Ltmp3:
0xd0: {  	v3 =	vld.idx.msk [tilespmem:v0+s5+$0x0], $0xffff;
	(pc) =	sbr.rel @p1 .LBB2_9-.Ltmp3, $4  }
0xd1: {  	v0 =	vld.idx.msk [tilespmem:v1+s5+$0x0], $0xffff  }
0xd2: {  	s12 =	sadd.s32 $0x80, s12;
	v1 =	vld.idx.msk [tilespmem:v2+s5+$0x0], $0xffff  }
0xd3: {  	v2 =	vld.idx.msk [tilespmem:v4+s5+$0x0], $0xffff;
	[tilespmem:s12+$0x30] =	vst v6  }
0xd4: {  	s1 =	sadd.s32 $0x80, s1;
	v4 =	vld.idx.msk [tilespmem:v7+s5+$0x0], $0xffff;
	[tilespmem:s12+$0xFFFFFFD0] =	vst v8  }
0xd5: {  	[tilespmem:s12+$0xFFFFFFE0] =	vst v5  }
0xd6: {  	[tilespmem:s12+$0xFFFFFFF0] =	vst v3  }
0xd7: {  	[tilespmem:s12+$0x0] =	vst v0  }
0xd8: {  	[tilespmem:s12+$0x10] =	vst v1  }
0xd9: {  	[tilespmem:s12+$0x20] =	vst v2  }
0xda: {  	s1 =	sadd.s32 s2, s11;
	[tilespmem:s12+$0xFFFFFFC0] =	vst v4  }
0xdb: {  	[hbm4b:s1+s14] =	stream.strided.scatter [tilespmem:s23], [sflag:$0x4], $0x1000, s17, s14, $0x38;
	[tilespmem:$0x1CF00] =	vst v63  }
0xdc: {  	_ =	swait.ge [sflag:s24], $0x1000  }
0xdd: {  	[sflag:s24] =	ssyncset.done $0x0  }
0xde: {  	[sflag:s24] =	ssyncadd.s32 $0xFFFFF000  }
0xdf: {  	_ =	swait.ge [sflag:s25], $0x1000  }
0xe0: {  	s31 =	sadd.s32 $0x1, s31;
	[sflag:s25] =	ssyncset.done $0x0  }
0xe1: {  	p1 =	sne.s32 s31, $0x1A;
	s1 =	simm.s32 @!p0 $0x5;
	[sflag:s25] =	ssyncadd.s32 $0xFFFFF000  }
.Ltmp4:
0xe2: {  	_ =	swait.ge @!p0 [sflag:s1], $0x800;
	(pc) =	sbr.rel @p1 .LBB2_2-.Ltmp4, $3  }
0xe3: {  	[sflag:s1] =	ssyncset.done @!p0 $0x0  }
0xe4: {  	[sflag:s1] =	ssyncadd.s32 @!p0 $0xFFFFF800  }
0xe5: {  	[bflag:$0x0] =	sbarrier.arrive $0xFFFF;
	_ =	sdelay $0x1  }
0xe6: {  	s2 =	rddreg [dreg:$0x7]  }
0xe7: {  	s1 =	rddreg [dreg:$0x5];
	s2 =	sadd.s32 $0x1, s2  }
0xe8: {  	p1 =	sne.s32 s2, s1  }
.Ltmp5:
0xe9: {  	_ = 	snop;
	(pc) =	sbr.rel @p1 .LBB2_1-.Ltmp5, $1  }
0xea: {  	_ =	sdelay $0x3  }
0xeb: {  	_ =	sfence.sel $0x180000  }
0xec: {  	[bflag:$0x0] =	sbarrier.arrive $0xFFFF  }
0xed: {  	_ =	strace $0x90000047  }
0xee: {  	[bflag:$0x2] =	sbarrier.arrive $0xFFFF  }
0xef: {  	s0 =	rddreg [dreg:$0x4]  }
0xf0: {  	s0 =	sadd.s32 @!p0 $0x100000, s0  }
0xf1: {  	[sflag:s0] =	ssyncadd.tile.s32 @!p0 $0x1;
	_ =	shalt  }
.Lfunc_end2:
_tile_overlayer_lowered:
.L_overlay_start_2:
0xf2: {  	(tag) =	ssettag $0x2  }
0xf3: {  	s0 =	rddreg [dreg:$0x0];
	s2 =	stileid.u32  }
0xf4: {  	s1 =	rddreg [dreg:$0x1];
	p0 =	sne.s32 s2, $0x0  }
0xf5: {  	s3 =	rddreg [dreg:$0x2];
	[bflag:$0x3] =	sbarrier.arrive $0xFFFF;
	s2 =	simm.s32 @!p0 $0x1C06  }
0xf6: {  	[timem:s3], [sflag:s2] =	dma.local @!p0 [hbm:s0], s1  }
0xf7: {  	s0 =	simm.s32 @!p0 $0x6  }
0xf8: {  	_ =	swait.ge @!p0 [sflag:s0], s1  }
0xf9: {  	s1 =	ssub.s32 @!p0 $0x0, s1;
	[sflag:s0] =	ssyncset.done @!p0 $0x0  }
0xfa: {  	[sflag:s0] =	ssyncadd.s32 @!p0 s1  }
0xfb: {  	[bflag:$0x3] =	sbarrier.arrive $0xFFFF  }
0xfc: {  	_ =	shalt  }

</sc_bundles>
